<compile_context>
chip_gen: v7x
topology: tpu7x:2x2x1
jax: 0.10.2.dev20260603
libtpu: 0.0.44.dev20260713+nightly
codegen_flags: <defaults>
</compile_context>

<pallas_src>
import functools

import jax
import jax.numpy as jnp
from jax import lax
from jax.experimental import pallas as pl
from jax.experimental.pallas import tpu as pltpu
from jax.experimental.pallas import tpu_sc as plsc

VOCAB = 1000000
BATCH = 16384
HIST = 200
TOTAL = BATCH * HIST

_info = plsc.get_sparse_core_info()
NC = _info.num_cores
NS = _info.num_subcores
NW = NC * NS
PER_TILE = TOTAL // NW
NCHUNK = 8
CHUNK = PER_TILE // NCHUNK
STAGE_HOP = 10416
STAGE_NHOP = 6
STAGE = STAGE_HOP * STAGE_NHOP
STAGE_TAIL = VOCAB - 16 * STAGE

_mesh = plsc.VectorSubcoreMesh(core_axis_name="c", subcore_axis_name="s")


@functools.partial(
    pl.kernel,
    mesh=_mesh,
    out_type=jax.ShapeDtypeStruct((TOTAL,), jnp.float32),
    scratch_types=[
        pltpu.VMEM((CHUNK,), jnp.int32),
        pltpu.VMEM((CHUNK,), jnp.int32),
        pltpu.VMEM((CHUNK,), jnp.float32),
        pltpu.VMEM((CHUNK,), jnp.float32),
        pltpu.VMEM_SHARED((VOCAB,), jnp.float32),
        pltpu.VMEM((STAGE_HOP,), jnp.float32),
        pltpu.SemaphoreType.DMA,
        pltpu.SemaphoreType.DMA,
        pltpu.SemaphoreType.DMA,
        pltpu.SemaphoreType.DMA,
        pltpu.SemaphoreType.DMA,
    ],
)
def _gather_kernel(ids_hbm, table_hbm, out_hbm, idx0, idx1, vals0, vals1,
                   table_sh, bounce, isem0, isem1, gsem, ssem0, ssem1):
    sid = lax.axis_index("s")
    wid = sid * NC + lax.axis_index("c")
    base = wid * PER_TILE
    idx = (idx0, idx1)
    vals = (vals0, vals1)
    isem = (isem0, isem1)
    ssem = (ssem0, ssem1)

    stage = sid * STAGE
    for h in range(STAGE_NHOP):
        off = stage + h * STAGE_HOP
        pltpu.sync_copy(table_hbm.at[pl.ds(off, STAGE_HOP)], bounce)
        pltpu.sync_copy(bounce, table_sh.at[pl.ds(off, STAGE_HOP)])

    @pl.when(sid == 0)
    def _stage_tail():
        pltpu.sync_copy(table_hbm.at[pl.ds(NS * STAGE, STAGE_TAIL)],
                        bounce.at[pl.ds(0, STAGE_TAIL)])
        pltpu.sync_copy(bounce.at[pl.ds(0, STAGE_TAIL)],
                        table_sh.at[pl.ds(NS * STAGE, STAGE_TAIL)])

    plsc.subcore_barrier()

    for b in range(2):
        pltpu.async_copy(
            ids_hbm.at[pl.ds(base + b * CHUNK, CHUNK)], idx[b], isem[b])

    for i in range(NCHUNK):
        b = i % 2
        pltpu.make_async_copy(
            ids_hbm.at[pl.ds(base + i * CHUNK, CHUNK)], idx[b],
            isem[b]).wait()
        if i >= 2:
            pltpu.make_async_copy(
                vals[b], out_hbm.at[pl.ds(base + (i - 2) * CHUNK, CHUNK)],
                ssem[b]).wait()
        pltpu.async_copy(table_sh.at[idx[b]], vals[b], gsem).wait()
        pltpu.async_copy(
            vals[b], out_hbm.at[pl.ds(base + i * CHUNK, CHUNK)], ssem[b])
        if i + 2 < NCHUNK:
            pltpu.async_copy(
                ids_hbm.at[pl.ds(base + (i + 2) * CHUNK, CHUNK)], idx[b],
                isem[b])

    for i in range(NCHUNK - 2, NCHUNK):
        b = i % 2
        pltpu.make_async_copy(
            vals[b], out_hbm.at[pl.ds(base + i * CHUNK, CHUNK)],
            ssem[b]).wait()


def kernel(input_ids, mapping_table):
    flat_ids = input_ids.reshape(TOTAL)
    out = _gather_kernel(flat_ids, mapping_table)
    return out.reshape(BATCH, HIST)

# --- scband reference (transcript-rebuilt; emitter-appended) ---
"""Pipeline reference for scband-mapping-38233798869704 (READ-ONLY COPY).

The authoritative reference and input builder live on the scoring server;
editing this copy changes nothing except your own understanding.
"""

import jax, jax.numpy as jnp
import numpy as np

VOCAB = 1000000
BATCH = 16384
HIST = 200

def setup_inputs(seed: int = 0) -> dict:
    key = jax.random.key(seed)
    k1, k2 = jax.random.split(key)
    input_ids = jax.random.randint(k1, (BATCH, HIST), 0, VOCAB, dtype=jnp.int64 if jax.config.jax_enable_x64 else jnp.int32)
    # The original module loads a dict mapping id -> value from a JSON file.
    # We materialize it as a dense lookup table of size VOCAB (one value per id).
    mapping_table = jax.random.normal(k2, (VOCAB,), dtype=jnp.float32)
    return {"input_ids": input_ids, "mapping_table": mapping_table}

def reference(input_ids, mapping_table):
    # input_ids.map(lambda x: self.mapping[x]) -> elementwise table lookup (gather)
    return jnp.take(mapping_table, input_ids, axis=0)

if __name__ == "__main__":
    import jax
    _d = setup_inputs()
    print(jax.jit(kernel)(*tuple(_d.values())))

</pallas_src>

<mosaic_0001>
#map = affine_map<(d0, d1) -> (0)>
module attributes {stable_mosaic.version = 14 : i64} {
  func.func @_gather_kernel(%arg0: i32, %arg1: i32, %arg2: memref<3276800xi32, #tpu.memory_space<hbm>>, %arg3: memref<1000000xf32, #tpu.memory_space<hbm>>, %arg4: memref<3276800xf32, #tpu.memory_space<hbm>>, %arg5: memref<12800xi32, #tpu.memory_space<vmem>>, %arg6: memref<12800xi32, #tpu.memory_space<vmem>>, %arg7: memref<12800xf32, #tpu.memory_space<vmem>>, %arg8: memref<12800xf32, #tpu.memory_space<vmem>>, %arg9: memref<1000000xf32, #tpu.memory_space<vmem_shared>>, %arg10: memref<10416xf32, #tpu.memory_space<vmem>>, %arg11: memref<!tpu.dma_semaphore, #tpu.memory_space<semaphore_mem>>, %arg12: memref<!tpu.dma_semaphore, #tpu.memory_space<semaphore_mem>>, %arg13: memref<!tpu.dma_semaphore, #tpu.memory_space<semaphore_mem>>, %arg14: memref<!tpu.dma_semaphore, #tpu.memory_space<semaphore_mem>>, %arg15: memref<!tpu.dma_semaphore, #tpu.memory_space<semaphore_mem>>) attributes {dimension_semantics = [#tpu.dimension_semantics<core_parallel>, #tpu.dimension_semantics<subcore_parallel>], iteration_bounds = array<i64: 2, 16>, scalar_prefetch = 0 : i64, scratch_operands = 11 : i64, tpu.core_type = #tpu.core_type<sc_vector_subcore>, window_params = [{transform_indices = #map}, {transform_indices = #map}, {transform_indices = #map}]} {
    %mul3A = arith.constant 2 : i32
    %mul3A_0 = arith.muli %arg1, %mul3A : i32
    %add3A = arith.addi %mul3A_0, %arg0 : i32
    %mul3A_1 = arith.constant 102400 : i32
    %mul3A_2 = arith.muli %add3A, %mul3A_1 : i32
    %mul3A_3 = arith.constant 62496 : i32
    %mul3A_4 = arith.muli %arg1, %mul3A_3 : i32
    %add3A_5 = arith.constant 0 : i32
    %add3A_6 = arith.addi %mul3A_4, %add3A_5 : i32
    "tpu.region"() ({
      %run_scoped3A = tpu.sem_alloc : memref<!tpu.dma_semaphore, #tpu.memory_space<semaphore_mem>>
      %dma_start3A_177 = tpu.memref_slice %arg3[%add3A_6] : memref<1000000xf32, #tpu.memory_space<hbm>> -> memref<10416xf32, #tpu.memory_space<hbm>>
      %dma_start3A_178 = tpu.memref_slice %arg3[%add3A_6] : memref<1000000xf32, #tpu.memory_space<hbm>> -> memref<10416xf32, #tpu.memory_space<hbm>>
      tpu.enqueue_dma source(%dma_start3A_178 : memref<10416xf32, #tpu.memory_space<hbm>>) target(%arg10 : memref<10416xf32, #tpu.memory_space<vmem>>) target_semaphore(%run_scoped3A : memref<!tpu.dma_semaphore, #tpu.memory_space<semaphore_mem>>)
      %dma_wait3A_179 = tpu.memref_slice %arg3[%add3A_6] : memref<1000000xf32, #tpu.memory_space<hbm>> -> memref<10416xf32, #tpu.memory_space<hbm>>
      %dma_wait3A_180 = tpu.memref_slice %arg3[%add3A_6] : memref<1000000xf32, #tpu.memory_space<hbm>> -> memref<10416xf32, #tpu.memory_space<hbm>>
      tpu.wait_dma2 semaphore(%run_scoped3A : memref<!tpu.dma_semaphore, #tpu.memory_space<semaphore_mem>>) src(%dma_wait3A_180 : memref<10416xf32, #tpu.memory_space<hbm>>) dst(%arg10 : memref<10416xf32, #tpu.memory_space<vmem>>)
      tpu.yield
    }) : () -> ()
    "tpu.region"() ({
      %run_scoped3A = tpu.sem_alloc : memref<!tpu.dma_semaphore, #tpu.memory_space<semaphore_mem>>
      %dma_start3A_177 = tpu.memref_slice %arg9[%add3A_6] : memref<1000000xf32, #tpu.memory_space<vmem_shared>> -> memref<10416xf32, #tpu.memory_space<vmem_shared>>
      %dma_start3A_178 = tpu.memref_slice %arg9[%add3A_6] : memref<1000000xf32, #tpu.memory_space<vmem_shared>> -> memref<10416xf32, #tpu.memory_space<vmem_shared>>
      tpu.enqueue_dma source(%arg10 : memref<10416xf32, #tpu.memory_space<vmem>>) target(%dma_start3A_178 : memref<10416xf32, #tpu.memory_space<vmem_shared>>) target_semaphore(%run_scoped3A : memref<!tpu.dma_semaphore, #tpu.memory_space<semaphore_mem>>)
      %dma_wait3A_179 = tpu.memref_slice %arg9[%add3A_6] : memref<1000000xf32, #tpu.memory_space<vmem_shared>> -> memref<10416xf32, #tpu.memory_space<vmem_shared>>
      %dma_wait3A_180 = tpu.memref_slice %arg9[%add3A_6] : memref<1000000xf32, #tpu.memory_space<vmem_shared>> -> memref<10416xf32, #tpu.memory_space<vmem_shared>>
      tpu.wait_dma2 semaphore(%run_scoped3A : memref<!tpu.dma_semaphore, #tpu.memory_space<semaphore_mem>>) src(%arg10 : memref<10416xf32, #tpu.memory_space<vmem>>) dst(%dma_wait3A_180 : memref<10416xf32, #tpu.memory_space<vmem_shared>>)
      tpu.yield
    }) : () -> ()
    %add3A_7 = arith.constant 10416 : i32
    %add3A_8 = arith.addi %mul3A_4, %add3A_7 : i32
    "tpu.region"() ({
      %run_scoped3A = tpu.sem_alloc : memref<!tpu.dma_semaphore, #tpu.memory_space<semaphore_mem>>
      %dma_start3A_177 = tpu.memref_slice %arg3[%add3A_8] : memref<1000000xf32, #tpu.memory_space<hbm>> -> memref<10416xf32, #tpu.memory_space<hbm>>
      %dma_start3A_178 = tpu.memref_slice %arg3[%add3A_8] : memref<1000000xf32, #tpu.memory_space<hbm>> -> memref<10416xf32, #tpu.memory_space<hbm>>
      tpu.enqueue_dma source(%dma_start3A_178 : memref<10416xf32, #tpu.memory_space<hbm>>) target(%arg10 : memref<10416xf32, #tpu.memory_space<vmem>>) target_semaphore(%run_scoped3A : memref<!tpu.dma_semaphore, #tpu.memory_space<semaphore_mem>>)
      %dma_wait3A_179 = tpu.memref_slice %arg3[%add3A_8] : memref<1000000xf32, #tpu.memory_space<hbm>> -> memref<10416xf32, #tpu.memory_space<hbm>>
      %dma_wait3A_180 = tpu.memref_slice %arg3[%add3A_8] : memref<1000000xf32, #tpu.memory_space<hbm>> -> memref<10416xf32, #tpu.memory_space<hbm>>
      tpu.wait_dma2 semaphore(%run_scoped3A : memref<!tpu.dma_semaphore, #tpu.memory_space<semaphore_mem>>) src(%dma_wait3A_180 : memref<10416xf32, #tpu.memory_space<hbm>>) dst(%arg10 : memref<10416xf32, #tpu.memory_space<vmem>>)
      tpu.yield
    }) : () -> ()
    "tpu.region"() ({
      %run_scoped3A = tpu.sem_alloc : memref<!tpu.dma_semaphore, #tpu.memory_space<semaphore_mem>>
      %dma_start3A_177 = tpu.memref_slice %arg9[%add3A_8] : memref<1000000xf32, #tpu.memory_space<vmem_shared>> -> memref<10416xf32, #tpu.memory_space<vmem_shared>>
      %dma_start3A_178 = tpu.memref_slice %arg9[%add3A_8] : memref<1000000xf32, #tpu.memory_space<vmem_shared>> -> memref<10416xf32, #tpu.memory_space<vmem_shared>>
      tpu.enqueue_dma source(%arg10 : memref<10416xf32, #tpu.memory_space<vmem>>) target(%dma_start3A_178 : memref<10416xf32, #tpu.memory_space<vmem_shared>>) target_semaphore(%run_scoped3A : memref<!tpu.dma_semaphore, #tpu.memory_space<semaphore_mem>>)
      %dma_wait3A_179 = tpu.memref_slice %arg9[%add3A_8] : memref<1000000xf32, #tpu.memory_space<vmem_shared>> -> memref<10416xf32, #tpu.memory_space<vmem_shared>>
      %dma_wait3A_180 = tpu.memref_slice %arg9[%add3A_8] : memref<1000000xf32, #tpu.memory_space<vmem_shared>> -> memref<10416xf32, #tpu.memory_space<vmem_shared>>
      tpu.wait_dma2 semaphore(%run_scoped3A : memref<!tpu.dma_semaphore, #tpu.memory_space<semaphore_mem>>) src(%arg10 : memref<10416xf32, #tpu.memory_space<vmem>>) dst(%dma_wait3A_180 : memref<10416xf32, #tpu.memory_space<vmem_shared>>)
      tpu.yield
    }) : () -> ()
    %add3A_9 = arith.constant 20832 : i32
    %add3A_10 = arith.addi %mul3A_4, %add3A_9 : i32
    "tpu.region"() ({
      %run_scoped3A = tpu.sem_alloc : memref<!tpu.dma_semaphore, #tpu.memory_space<semaphore_mem>>
      %dma_start3A_177 = tpu.memref_slice %arg3[%add3A_10] : memref<1000000xf32, #tpu.memory_space<hbm>> -> memref<10416xf32, #tpu.memory_space<hbm>>
      %dma_start3A_178 = tpu.memref_slice %arg3[%add3A_10] : memref<1000000xf32, #tpu.memory_space<hbm>> -> memref<10416xf32, #tpu.memory_space<hbm>>
      tpu.enqueue_dma source(%dma_start3A_178 : memref<10416xf32, #tpu.memory_space<hbm>>) target(%arg10 : memref<10416xf32, #tpu.memory_space<vmem>>) target_semaphore(%run_scoped3A : memref<!tpu.dma_semaphore, #tpu.memory_space<semaphore_mem>>)
      %dma_wait3A_179 = tpu.memref_slice %arg3[%add3A_10] : memref<1000000xf32, #tpu.memory_space<hbm>> -> memref<10416xf32, #tpu.memory_space<hbm>>
      %dma_wait3A_180 = tpu.memref_slice %arg3[%add3A_10] : memref<1000000xf32, #tpu.memory_space<hbm>> -> memref<10416xf32, #tpu.memory_space<hbm>>
      tpu.wait_dma2 semaphore(%run_scoped3A : memref<!tpu.dma_semaphore, #tpu.memory_space<semaphore_mem>>) src(%dma_wait3A_180 : memref<10416xf32, #tpu.memory_space<hbm>>) dst(%arg10 : memref<10416xf32, #tpu.memory_space<vmem>>)
      tpu.yield
    }) : () -> ()
    "tpu.region"() ({
      %run_scoped3A = tpu.sem_alloc : memref<!tpu.dma_semaphore, #tpu.memory_space<semaphore_mem>>
      %dma_start3A_177 = tpu.memref_slice %arg9[%add3A_10] : memref<1000000xf32, #tpu.memory_space<vmem_shared>> -> memref<10416xf32, #tpu.memory_space<vmem_shared>>
      %dma_start3A_178 = tpu.memref_slice %arg9[%add3A_10] : memref<1000000xf32, #tpu.memory_space<vmem_shared>> -> memref<10416xf32, #tpu.memory_space<vmem_shared>>
      tpu.enqueue_dma source(%arg10 : memref<10416xf32, #tpu.memory_space<vmem>>) target(%dma_start3A_178 : memref<10416xf32, #tpu.memory_space<vmem_shared>>) target_semaphore(%run_scoped3A : memref<!tpu.dma_semaphore, #tpu.memory_space<semaphore_mem>>)
      %dma_wait3A_179 = tpu.memref_slice %arg9[%add3A_10] : memref<1000000xf32, #tpu.memory_space<vmem_shared>> -> memref<10416xf32, #tpu.memory_space<vmem_shared>>
      %dma_wait3A_180 = tpu.memref_slice %arg9[%add3A_10] : memref<1000000xf32, #tpu.memory_space<vmem_shared>> -> memref<10416xf32, #tpu.memory_space<vmem_shared>>
      tpu.wait_dma2 semaphore(%run_scoped3A : memref<!tpu.dma_semaphore, #tpu.memory_space<semaphore_mem>>) src(%arg10 : memref<10416xf32, #tpu.memory_space<vmem>>) dst(%dma_wait3A_180 : memref<10416xf32, #tpu.memory_space<vmem_shared>>)
      tpu.yield
    }) : () -> ()
    %add3A_11 = arith.constant 31248 : i32
    %add3A_12 = arith.addi %mul3A_4, %add3A_11 : i32
    "tpu.region"() ({
      %run_scoped3A = tpu.sem_alloc : memref<!tpu.dma_semaphore, #tpu.memory_space<semaphore_mem>>
      %dma_start3A_177 = tpu.memref_slice %arg3[%add3A_12] : memref<1000000xf32, #tpu.memory_space<hbm>> -> memref<10416xf32, #tpu.memory_space<hbm>>
      %dma_start3A_178 = tpu.memref_slice %arg3[%add3A_12] : memref<1000000xf32, #tpu.memory_space<hbm>> -> memref<10416xf32, #tpu.memory_space<hbm>>
      tpu.enqueue_dma source(%dma_start3A_178 : memref<10416xf32, #tpu.memory_space<hbm>>) target(%arg10 : memref<10416xf32, #tpu.memory_space<vmem>>) target_semaphore(%run_scoped3A : memref<!tpu.dma_semaphore, #tpu.memory_space<semaphore_mem>>)
      %dma_wait3A_179 = tpu.memref_slice %arg3[%add3A_12] : memref<1000000xf32, #tpu.memory_space<hbm>> -> memref<10416xf32, #tpu.memory_space<hbm>>
      %dma_wait3A_180 = tpu.memref_slice %arg3[%add3A_12] : memref<1000000xf32, #tpu.memory_space<hbm>> -> memref<10416xf32, #tpu.memory_space<hbm>>
      tpu.wait_dma2 semaphore(%run_scoped3A : memref<!tpu.dma_semaphore, #tpu.memory_space<semaphore_mem>>) src(%dma_wait3A_180 : memref<10416xf32, #tpu.memory_space<hbm>>) dst(%arg10 : memref<10416xf32, #tpu.memory_space<vmem>>)
      tpu.yield
    }) : () -> ()
    "tpu.region"() ({
      %run_scoped3A = tpu.sem_alloc : memref<!tpu.dma_semaphore, #tpu.memory_space<semaphore_mem>>
      %dma_start3A_177 = tpu.memref_slice %arg9[%add3A_12] : memref<1000000xf32, #tpu.memory_space<vmem_shared>> -> memref<10416xf32, #tpu.memory_space<vmem_shared>>
      %dma_start3A_178 = tpu.memref_slice %arg9[%add3A_12] : memref<1000000xf32, #tpu.memory_space<vmem_shared>> -> memref<10416xf32, #tpu.memory_space<vmem_shared>>
      tpu.enqueue_dma source(%arg10 : memref<10416xf32, #tpu.memory_space<vmem>>) target(%dma_start3A_178 : memref<10416xf32, #tpu.memory_space<vmem_shared>>) target_semaphore(%run_scoped3A : memref<!tpu.dma_semaphore, #tpu.memory_space<semaphore_mem>>)
      %dma_wait3A_179 = tpu.memref_slice %arg9[%add3A_12] : memref<1000000xf32, #tpu.memory_space<vmem_shared>> -> memref<10416xf32, #tpu.memory_space<vmem_shared>>
      %dma_wait3A_180 = tpu.memref_slice %arg9[%add3A_12] : memref<1000000xf32, #tpu.memory_space<vmem_shared>> -> memref<10416xf32, #tpu.memory_space<vmem_shared>>
      tpu.wait_dma2 semaphore(%run_scoped3A : memref<!tpu.dma_semaphore, #tpu.memory_space<semaphore_mem>>) src(%arg10 : memref<10416xf32, #tpu.memory_space<vmem>>) dst(%dma_wait3A_180 : memref<10416xf32, #tpu.memory_space<vmem_shared>>)
      tpu.yield
    }) : () -> ()
    %add3A_13 = arith.constant 41664 : i32
    %add3A_14 = arith.addi %mul3A_4, %add3A_13 : i32
    "tpu.region"() ({
      %run_scoped3A = tpu.sem_alloc : memref<!tpu.dma_semaphore, #tpu.memory_space<semaphore_mem>>
      %dma_start3A_177 = tpu.memref_slice %arg3[%add3A_14] : memref<1000000xf32, #tpu.memory_space<hbm>> -> memref<10416xf32, #tpu.memory_space<hbm>>
      %dma_start3A_178 = tpu.memref_slice %arg3[%add3A_14] : memref<1000000xf32, #tpu.memory_space<hbm>> -> memref<10416xf32, #tpu.memory_space<hbm>>
      tpu.enqueue_dma source(%dma_start3A_178 : memref<10416xf32, #tpu.memory_space<hbm>>) target(%arg10 : memref<10416xf32, #tpu.memory_space<vmem>>) target_semaphore(%run_scoped3A : memref<!tpu.dma_semaphore, #tpu.memory_space<semaphore_mem>>)
      %dma_wait3A_179 = tpu.memref_slice %arg3[%add3A_14] : memref<1000000xf32, #tpu.memory_space<hbm>> -> memref<10416xf32, #tpu.memory_space<hbm>>
      %dma_wait3A_180 = tpu.memref_slice %arg3[%add3A_14] : memref<1000000xf32, #tpu.memory_space<hbm>> -> memref<10416xf32, #tpu.memory_space<hbm>>
      tpu.wait_dma2 semaphore(%run_scoped3A : memref<!tpu.dma_semaphore, #tpu.memory_space<semaphore_mem>>) src(%dma_wait3A_180 : memref<10416xf32, #tpu.memory_space<hbm>>) dst(%arg10 : memref<10416xf32, #tpu.memory_space<vmem>>)
      tpu.yield
    }) : () -> ()
    "tpu.region"() ({
      %run_scoped3A = tpu.sem_alloc : memref<!tpu.dma_semaphore, #tpu.memory_space<semaphore_mem>>
      %dma_start3A_177 = tpu.memref_slice %arg9[%add3A_14] : memref<1000000xf32, #tpu.memory_space<vmem_shared>> -> memref<10416xf32, #tpu.memory_space<vmem_shared>>
      %dma_start3A_178 = tpu.memref_slice %arg9[%add3A_14] : memref<1000000xf32, #tpu.memory_space<vmem_shared>> -> memref<10416xf32, #tpu.memory_space<vmem_shared>>
      tpu.enqueue_dma source(%arg10 : memref<10416xf32, #tpu.memory_space<vmem>>) target(%dma_start3A_178 : memref<10416xf32, #tpu.memory_space<vmem_shared>>) target_semaphore(%run_scoped3A : memref<!tpu.dma_semaphore, #tpu.memory_space<semaphore_mem>>)
      %dma_wait3A_179 = tpu.memref_slice %arg9[%add3A_14] : memref<1000000xf32, #tpu.memory_space<vmem_shared>> -> memref<10416xf32, #tpu.memory_space<vmem_shared>>
      %dma_wait3A_180 = tpu.memref_slice %arg9[%add3A_14] : memref<1000000xf32, #tpu.memory_space<vmem_shared>> -> memref<10416xf32, #tpu.memory_space<vmem_shared>>
      tpu.wait_dma2 semaphore(%run_scoped3A : memref<!tpu.dma_semaphore, #tpu.memory_space<semaphore_mem>>) src(%arg10 : memref<10416xf32, #tpu.memory_space<vmem>>) dst(%dma_wait3A_180 : memref<10416xf32, #tpu.memory_space<vmem_shared>>)
      tpu.yield
    }) : () -> ()
    %add3A_15 = arith.constant 52080 : i32
    %add3A_16 = arith.addi %mul3A_4, %add3A_15 : i32
    "tpu.region"() ({
      %run_scoped3A = tpu.sem_alloc : memref<!tpu.dma_semaphore, #tpu.memory_space<semaphore_mem>>
      %dma_start3A_177 = tpu.memref_slice %arg3[%add3A_16] : memref<1000000xf32, #tpu.memory_space<hbm>> -> memref<10416xf32, #tpu.memory_space<hbm>>
      %dma_start3A_178 = tpu.memref_slice %arg3[%add3A_16] : memref<1000000xf32, #tpu.memory_space<hbm>> -> memref<10416xf32, #tpu.memory_space<hbm>>
      tpu.enqueue_dma source(%dma_start3A_178 : memref<10416xf32, #tpu.memory_space<hbm>>) target(%arg10 : memref<10416xf32, #tpu.memory_space<vmem>>) target_semaphore(%run_scoped3A : memref<!tpu.dma_semaphore, #tpu.memory_space<semaphore_mem>>)
      %dma_wait3A_179 = tpu.memref_slice %arg3[%add3A_16] : memref<1000000xf32, #tpu.memory_space<hbm>> -> memref<10416xf32, #tpu.memory_space<hbm>>
      %dma_wait3A_180 = tpu.memref_slice %arg3[%add3A_16] : memref<1000000xf32, #tpu.memory_space<hbm>> -> memref<10416xf32, #tpu.memory_space<hbm>>
      tpu.wait_dma2 semaphore(%run_scoped3A : memref<!tpu.dma_semaphore, #tpu.memory_space<semaphore_mem>>) src(%dma_wait3A_180 : memref<10416xf32, #tpu.memory_space<hbm>>) dst(%arg10 : memref<10416xf32, #tpu.memory_space<vmem>>)
      tpu.yield
    }) : () -> ()
    "tpu.region"() ({
      %run_scoped3A = tpu.sem_alloc : memref<!tpu.dma_semaphore, #tpu.memory_space<semaphore_mem>>
      %dma_start3A_177 = tpu.memref_slice %arg9[%add3A_16] : memref<1000000xf32, #tpu.memory_space<vmem_shared>> -> memref<10416xf32, #tpu.memory_space<vmem_shared>>
      %dma_start3A_178 = tpu.memref_slice %arg9[%add3A_16] : memref<1000000xf32, #tpu.memory_space<vmem_shared>> -> memref<10416xf32, #tpu.memory_space<vmem_shared>>
      tpu.enqueue_dma source(%arg10 : memref<10416xf32, #tpu.memory_space<vmem>>) target(%dma_start3A_178 : memref<10416xf32, #tpu.memory_space<vmem_shared>>) target_semaphore(%run_scoped3A : memref<!tpu.dma_semaphore, #tpu.memory_space<semaphore_mem>>)
      %dma_wait3A_179 = tpu.memref_slice %arg9[%add3A_16] : memref<1000000xf32, #tpu.memory_space<vmem_shared>> -> memref<10416xf32, #tpu.memory_space<vmem_shared>>
      %dma_wait3A_180 = tpu.memref_slice %arg9[%add3A_16] : memref<1000000xf32, #tpu.memory_space<vmem_shared>> -> memref<10416xf32, #tpu.memory_space<vmem_shared>>
      tpu.wait_dma2 semaphore(%run_scoped3A : memref<!tpu.dma_semaphore, #tpu.memory_space<semaphore_mem>>) src(%arg10 : memref<10416xf32, #tpu.memory_space<vmem>>) dst(%dma_wait3A_180 : memref<10416xf32, #tpu.memory_space<vmem_shared>>)
      tpu.yield
    }) : () -> ()
    %eq3A = arith.constant 0 : i32
    %eq3A_17 = arith.cmpi eq, %arg1, %eq3A : i32
    %convert_element_type3A = arith.extui %eq3A_17 : i1 to i32
    %cond3A = arith.constant 0 : i32
    %cond3A_18 = arith.cmpi ne, %convert_element_type3A, %cond3A : i32
    scf.if %cond3A_18 {
      "tpu.region"() ({
        %run_scoped3A = tpu.sem_alloc : memref<!tpu.dma_semaphore, #tpu.memory_space<semaphore_mem>>
        %dma_start3A_177 = arith.constant 0 : i32
        %dma_start3A_178 = tpu.memref_slice %arg10[%dma_start3A_177] : memref<10416xf32, #tpu.memory_space<vmem>> -> memref<64xf32, #tpu.memory_space<vmem>>
        %dma_start3A_179 = arith.constant 999936 : i32
        %dma_start3A_180 = tpu.memref_slice %arg3[%dma_start3A_179] : memref<1000000xf32, #tpu.memory_space<hbm>> -> memref<64xf32, #tpu.memory_space<hbm>>
        %dma_start3A_181 = arith.constant 0 : i32
        %dma_start3A_182 = tpu.memref_slice %arg10[%dma_start3A_181] : memref<10416xf32, #tpu.memory_space<vmem>> -> memref<64xf32, #tpu.memory_space<vmem>>
        %dma_start3A_183 = arith.constant 999936 : i32
        %dma_start3A_184 = tpu.memref_slice %arg3[%dma_start3A_183] : memref<1000000xf32, #tpu.memory_space<hbm>> -> memref<64xf32, #tpu.memory_space<hbm>>
        tpu.enqueue_dma source(%dma_start3A_184 : memref<64xf32, #tpu.memory_space<hbm>>) target(%dma_start3A_182 : memref<64xf32, #tpu.memory_space<vmem>>) target_semaphore(%run_scoped3A : memref<!tpu.dma_semaphore, #tpu.memory_space<semaphore_mem>>)
        %dma_wait3A_185 = arith.constant 0 : i32
        %dma_wait3A_186 = tpu.memref_slice %arg10[%dma_wait3A_185] : memref<10416xf32, #tpu.memory_space<vmem>> -> memref<64xf32, #tpu.memory_space<vmem>>
        %dma_wait3A_187 = arith.constant 999936 : i32
        %dma_wait3A_188 = tpu.memref_slice %arg3[%dma_wait3A_187] : memref<1000000xf32, #tpu.memory_space<hbm>> -> memref<64xf32, #tpu.memory_space<hbm>>
        %dma_wait3A_189 = arith.constant 0 : i32
        %dma_wait3A_190 = tpu.memref_slice %arg10[%dma_wait3A_189] : memref<10416xf32, #tpu.memory_space<vmem>> -> memref<64xf32, #tpu.memory_space<vmem>>
        %dma_wait3A_191 = arith.constant 999936 : i32
        %dma_wait3A_192 = tpu.memref_slice %arg3[%dma_wait3A_191] : memref<1000000xf32, #tpu.memory_space<hbm>> -> memref<64xf32, #tpu.memory_space<hbm>>
        tpu.wait_dma2 semaphore(%run_scoped3A : memref<!tpu.dma_semaphore, #tpu.memory_space<semaphore_mem>>) src(%dma_wait3A_192 : memref<64xf32, #tpu.memory_space<hbm>>) dst(%dma_wait3A_190 : memref<64xf32, #tpu.memory_space<vmem>>)
        tpu.yield
      }) : () -> ()
      "tpu.region"() ({
        %run_scoped3A = tpu.sem_alloc : memref<!tpu.dma_semaphore, #tpu.memory_space<semaphore_mem>>
        %dma_start3A_177 = arith.constant 0 : i32
        %dma_start3A_178 = tpu.memref_slice %arg10[%dma_start3A_177] : memref<10416xf32, #tpu.memory_space<vmem>> -> memref<64xf32, #tpu.memory_space<vmem>>
        %dma_start3A_179 = arith.constant 999936 : i32
        %dma_start3A_180 = tpu.memref_slice %arg9[%dma_start3A_179] : memref<1000000xf32, #tpu.memory_space<vmem_shared>> -> memref<64xf32, #tpu.memory_space<vmem_shared>>
        %dma_start3A_181 = arith.constant 999936 : i32
        %dma_start3A_182 = tpu.memref_slice %arg9[%dma_start3A_181] : memref<1000000xf32, #tpu.memory_space<vmem_shared>> -> memref<64xf32, #tpu.memory_space<vmem_shared>>
        %dma_start3A_183 = arith.constant 0 : i32
        %dma_start3A_184 = tpu.memref_slice %arg10[%dma_start3A_183] : memref<10416xf32, #tpu.memory_space<vmem>> -> memref<64xf32, #tpu.memory_space<vmem>>
        tpu.enqueue_dma source(%dma_start3A_184 : memref<64xf32, #tpu.memory_space<vmem>>) target(%dma_start3A_182 : memref<64xf32, #tpu.memory_space<vmem_shared>>) target_semaphore(%run_scoped3A : memref<!tpu.dma_semaphore, #tpu.memory_space<semaphore_mem>>)
        %dma_wait3A_185 = arith.constant 0 : i32
        %dma_wait3A_186 = tpu.memref_slice %arg10[%dma_wait3A_185] : memref<10416xf32, #tpu.memory_space<vmem>> -> memref<64xf32, #tpu.memory_space<vmem>>
        %dma_wait3A_187 = arith.constant 999936 : i32
        %dma_wait3A_188 = tpu.memref_slice %arg9[%dma_wait3A_187] : memref<1000000xf32, #tpu.memory_space<vmem_shared>> -> memref<64xf32, #tpu.memory_space<vmem_shared>>
        %dma_wait3A_189 = arith.constant 999936 : i32
        %dma_wait3A_190 = tpu.memref_slice %arg9[%dma_wait3A_189] : memref<1000000xf32, #tpu.memory_space<vmem_shared>> -> memref<64xf32, #tpu.memory_space<vmem_shared>>
        %dma_wait3A_191 = arith.constant 0 : i32
        %dma_wait3A_192 = tpu.memref_slice %arg10[%dma_wait3A_191] : memref<10416xf32, #tpu.memory_space<vmem>> -> memref<64xf32, #tpu.memory_space<vmem>>
        tpu.wait_dma2 semaphore(%run_scoped3A : memref<!tpu.dma_semaphore, #tpu.memory_space<semaphore_mem>>) src(%dma_wait3A_192 : memref<64xf32, #tpu.memory_space<vmem>>) dst(%dma_wait3A_190 : memref<64xf32, #tpu.memory_space<vmem_shared>>)
        tpu.yield
      }) : () -> ()
    } else {
    }
    %barrier3A = arith.constant 0 : index
    tpu.barrier barrier_id(%barrier3A)
    %add3A_19 = arith.constant 0 : i32
    %add3A_20 = arith.addi %mul3A_2, %add3A_19 : i32
    %dma_start3A = tpu.memref_slice %arg2[%add3A_20] : memref<3276800xi32, #tpu.memory_space<hbm>> -> memref<12800xi32, #tpu.memory_space<hbm>>
    %dma_start3A_21 = tpu.memref_slice %arg2[%add3A_20] : memref<3276800xi32, #tpu.memory_space<hbm>> -> memref<12800xi32, #tpu.memory_space<hbm>>
    tpu.enqueue_dma source(%dma_start3A_21 : memref<12800xi32, #tpu.memory_space<hbm>>) target(%arg5 : memref<12800xi32, #tpu.memory_space<vmem>>) target_semaphore(%arg11 : memref<!tpu.dma_semaphore, #tpu.memory_space<semaphore_mem>>)
    %add3A_22 = arith.constant 12800 : i32
    %add3A_23 = arith.addi %mul3A_2, %add3A_22 : i32
    %dma_start3A_24 = tpu.memref_slice %arg2[%add3A_23] : memref<3276800xi32, #tpu.memory_space<hbm>> -> memref<12800xi32, #tpu.memory_space<hbm>>
    %dma_start3A_25 = tpu.memref_slice %arg2[%add3A_23] : memref<3276800xi32, #tpu.memory_space<hbm>> -> memref<12800xi32, #tpu.memory_space<hbm>>
    tpu.enqueue_dma source(%dma_start3A_25 : memref<12800xi32, #tpu.memory_space<hbm>>) target(%arg6 : memref<12800xi32, #tpu.memory_space<vmem>>) target_semaphore(%arg12 : memref<!tpu.dma_semaphore, #tpu.memory_space<semaphore_mem>>)
    %add3A_26 = arith.constant 0 : i32
    %add3A_27 = arith.addi %mul3A_2, %add3A_26 : i32
    %dma_wait3A = tpu.memref_slice %arg2[%add3A_27] : memref<3276800xi32, #tpu.memory_space<hbm>> -> memref<12800xi32, #tpu.memory_space<hbm>>
    %dma_wait3A_28 = tpu.memref_slice %arg2[%add3A_27] : memref<3276800xi32, #tpu.memory_space<hbm>> -> memref<12800xi32, #tpu.memory_space<hbm>>
    tpu.wait_dma2 semaphore(%arg11 : memref<!tpu.dma_semaphore, #tpu.memory_space<semaphore_mem>>) src(%dma_wait3A_28 : memref<12800xi32, #tpu.memory_space<hbm>>) dst(%arg5 : memref<12800xi32, #tpu.memory_space<vmem>>)
    %dma_start3A_29 = arith.constant 0 : i32
    %dma_start3A_30 = tpu.memref_slice %arg9[%dma_start3A_29] : memref<1000000xf32, #tpu.memory_space<vmem_shared>> -> memref<1000000xf32, #tpu.memory_space<vmem_shared>>
    tpu.enqueue_indirect_dma source(%dma_start3A_30 : memref<1000000xf32, #tpu.memory_space<vmem_shared>>) target(%arg7 : memref<12800xf32, #tpu.memory_space<vmem>>) offsets(%arg5 : memref<12800xi32, #tpu.memory_space<vmem>>) semaphore(%arg13 : memref<!tpu.dma_semaphore, #tpu.memory_space<semaphore_mem>>)
    %dma_wait3A_31 = arith.constant 0 : i32
    %dma_wait3A_32 = tpu.memref_slice %arg9[%dma_wait3A_31] : memref<1000000xf32, #tpu.memory_space<vmem_shared>> -> memref<1000000xf32, #tpu.memory_space<vmem_shared>>
    tpu.wait_indirect_dma semaphore(%arg13 : memref<!tpu.dma_semaphore, #tpu.memory_space<semaphore_mem>>) src(%dma_wait3A_32 : memref<1000000xf32, #tpu.memory_space<vmem_shared>>) dst(%arg7 : memref<12800xf32, #tpu.memory_space<vmem>>)
    %add3A_33 = arith.constant 0 : i32
    %add3A_34 = arith.addi %mul3A_2, %add3A_33 : i32
    %dma_start3A_35 = tpu.memref_slice %arg4[%add3A_34] : memref<3276800xf32, #tpu.memory_space<hbm>> -> memref<12800xf32, #tpu.memory_space<hbm>>
    %dma_start3A_36 = tpu.memref_slice %arg4[%add3A_34] : memref<3276800xf32, #tpu.memory_space<hbm>> -> memref<12800xf32, #tpu.memory_space<hbm>>
    tpu.enqueue_dma source(%arg7 : memref<12800xf32, #tpu.memory_space<vmem>>) target(%dma_start3A_36 : memref<12800xf32, #tpu.memory_space<hbm>>) target_semaphore(%arg14 : memref<!tpu.dma_semaphore, #tpu.memory_space<semaphore_mem>>)
    %add3A_37 = arith.constant 25600 : i32
    %add3A_38 = arith.addi %mul3A_2, %add3A_37 : i32
    %dma_start3A_39 = tpu.memref_slice %arg2[%add3A_38] : memref<3276800xi32, #tpu.memory_space<hbm>> -> memref<12800xi32, #tpu.memory_space<hbm>>
    %dma_start3A_40 = tpu.memref_slice %arg2[%add3A_38] : memref<3276800xi32, #tpu.memory_space<hbm>> -> memref<12800xi32, #tpu.memory_space<hbm>>
    tpu.enqueue_dma source(%dma_start3A_40 : memref<12800xi32, #tpu.memory_space<hbm>>) target(%arg5 : memref<12800xi32, #tpu.memory_space<vmem>>) target_semaphore(%arg11 : memref<!tpu.dma_semaphore, #tpu.memory_space<semaphore_mem>>)
    %add3A_41 = arith.constant 12800 : i32
    %add3A_42 = arith.addi %mul3A_2, %add3A_41 : i32
    %dma_wait3A_43 = tpu.memref_slice %arg2[%add3A_42] : memref<3276800xi32, #tpu.memory_space<hbm>> -> memref<12800xi32, #tpu.memory_space<hbm>>
    %dma_wait3A_44 = tpu.memref_slice %arg2[%add3A_42] : memref<3276800xi32, #tpu.memory_space<hbm>> -> memref<12800xi32, #tpu.memory_space<hbm>>
    tpu.wait_dma2 semaphore(%arg12 : memref<!tpu.dma_semaphore, #tpu.memory_space<semaphore_mem>>) src(%dma_wait3A_44 : memref<12800xi32, #tpu.memory_space<hbm>>) dst(%arg6 : memref<12800xi32, #tpu.memory_space<vmem>>)
    %dma_start3A_45 = arith.constant 0 : i32
    %dma_start3A_46 = tpu.memref_slice %arg9[%dma_start3A_45] : memref<1000000xf32, #tpu.memory_space<vmem_shared>> -> memref<1000000xf32, #tpu.memory_space<vmem_shared>>
    tpu.enqueue_indirect_dma source(%dma_start3A_46 : memref<1000000xf32, #tpu.memory_space<vmem_shared>>) target(%arg8 : memref<12800xf32, #tpu.memory_space<vmem>>) offsets(%arg6 : memref<12800xi32, #tpu.memory_space<vmem>>) semaphore(%arg13 : memref<!tpu.dma_semaphore, #tpu.memory_space<semaphore_mem>>)
    %dma_wait3A_47 = arith.constant 0 : i32
    %dma_wait3A_48 = tpu.memref_slice %arg9[%dma_wait3A_47] : memref<1000000xf32, #tpu.memory_space<vmem_shared>> -> memref<1000000xf32, #tpu.memory_space<vmem_shared>>
    tpu.wait_indirect_dma semaphore(%arg13 : memref<!tpu.dma_semaphore, #tpu.memory_space<semaphore_mem>>) src(%dma_wait3A_48 : memref<1000000xf32, #tpu.memory_space<vmem_shared>>) dst(%arg8 : memref<12800xf32, #tpu.memory_space<vmem>>)
    %add3A_49 = arith.constant 12800 : i32
    %add3A_50 = arith.addi %mul3A_2, %add3A_49 : i32
    %dma_start3A_51 = tpu.memref_slice %arg4[%add3A_50] : memref<3276800xf32, #tpu.memory_space<hbm>> -> memref<12800xf32, #tpu.memory_space<hbm>>
    %dma_start3A_52 = tpu.memref_slice %arg4[%add3A_50] : memref<3276800xf32, #tpu.memory_space<hbm>> -> memref<12800xf32, #tpu.memory_space<hbm>>
    tpu.enqueue_dma source(%arg8 : memref<12800xf32, #tpu.memory_space<vmem>>) target(%dma_start3A_52 : memref<12800xf32, #tpu.memory_space<hbm>>) target_semaphore(%arg15 : memref<!tpu.dma_semaphore, #tpu.memory_space<semaphore_mem>>)
    %add3A_53 = arith.constant 38400 : i32
    %add3A_54 = arith.addi %mul3A_2, %add3A_53 : i32
    %dma_start3A_55 = tpu.memref_slice %arg2[%add3A_54] : memref<3276800xi32, #tpu.memory_space<hbm>> -> memref<12800xi32, #tpu.memory_space<hbm>>
    %dma_start3A_56 = tpu.memref_slice %arg2[%add3A_54] : memref<3276800xi32, #tpu.memory_space<hbm>> -> memref<12800xi32, #tpu.memory_space<hbm>>
    tpu.enqueue_dma source(%dma_start3A_56 : memref<12800xi32, #tpu.memory_space<hbm>>) target(%arg6 : memref<12800xi32, #tpu.memory_space<vmem>>) target_semaphore(%arg12 : memref<!tpu.dma_semaphore, #tpu.memory_space<semaphore_mem>>)
    %add3A_57 = arith.constant 25600 : i32
    %add3A_58 = arith.addi %mul3A_2, %add3A_57 : i32
    %dma_wait3A_59 = tpu.memref_slice %arg2[%add3A_58] : memref<3276800xi32, #tpu.memory_space<hbm>> -> memref<12800xi32, #tpu.memory_space<hbm>>
    %dma_wait3A_60 = tpu.memref_slice %arg2[%add3A_58] : memref<3276800xi32, #tpu.memory_space<hbm>> -> memref<12800xi32, #tpu.memory_space<hbm>>
    tpu.wait_dma2 semaphore(%arg11 : memref<!tpu.dma_semaphore, #tpu.memory_space<semaphore_mem>>) src(%dma_wait3A_60 : memref<12800xi32, #tpu.memory_space<hbm>>) dst(%arg5 : memref<12800xi32, #tpu.memory_space<vmem>>)
    %add3A_61 = arith.constant 0 : i32
    %add3A_62 = arith.addi %mul3A_2, %add3A_61 : i32
    %dma_wait3A_63 = tpu.memref_slice %arg4[%add3A_62] : memref<3276800xf32, #tpu.memory_space<hbm>> -> memref<12800xf32, #tpu.memory_space<hbm>>
    %dma_wait3A_64 = tpu.memref_slice %arg4[%add3A_62] : memref<3276800xf32, #tpu.memory_space<hbm>> -> memref<12800xf32, #tpu.memory_space<hbm>>
    tpu.wait_dma2 semaphore(%arg14 : memref<!tpu.dma_semaphore, #tpu.memory_space<semaphore_mem>>) src(%arg7 : memref<12800xf32, #tpu.memory_space<vmem>>) dst(%dma_wait3A_64 : memref<12800xf32, #tpu.memory_space<hbm>>)
    %dma_start3A_65 = arith.constant 0 : i32
    %dma_start3A_66 = tpu.memref_slice %arg9[%dma_start3A_65] : memref<1000000xf32, #tpu.memory_space<vmem_shared>> -> memref<1000000xf32, #tpu.memory_space<vmem_shared>>
    tpu.enqueue_indirect_dma source(%dma_start3A_66 : memref<1000000xf32, #tpu.memory_space<vmem_shared>>) target(%arg7 : memref<12800xf32, #tpu.memory_space<vmem>>) offsets(%arg5 : memref<12800xi32, #tpu.memory_space<vmem>>) semaphore(%arg13 : memref<!tpu.dma_semaphore, #tpu.memory_space<semaphore_mem>>)
    %dma_wait3A_67 = arith.constant 0 : i32
    %dma_wait3A_68 = tpu.memref_slice %arg9[%dma_wait3A_67] : memref<1000000xf32, #tpu.memory_space<vmem_shared>> -> memref<1000000xf32, #tpu.memory_space<vmem_shared>>
    tpu.wait_indirect_dma semaphore(%arg13 : memref<!tpu.dma_semaphore, #tpu.memory_space<semaphore_mem>>) src(%dma_wait3A_68 : memref<1000000xf32, #tpu.memory_space<vmem_shared>>) dst(%arg7 : memref<12800xf32, #tpu.memory_space<vmem>>)
    %add3A_69 = arith.constant 25600 : i32
    %add3A_70 = arith.addi %mul3A_2, %add3A_69 : i32
    %dma_start3A_71 = tpu.memref_slice %arg4[%add3A_70] : memref<3276800xf32, #tpu.memory_space<hbm>> -> memref<12800xf32, #tpu.memory_space<hbm>>
    %dma_start3A_72 = tpu.memref_slice %arg4[%add3A_70] : memref<3276800xf32, #tpu.memory_space<hbm>> -> memref<12800xf32, #tpu.memory_space<hbm>>
    tpu.enqueue_dma source(%arg7 : memref<12800xf32, #tpu.memory_space<vmem>>) target(%dma_start3A_72 : memref<12800xf32, #tpu.memory_space<hbm>>) target_semaphore(%arg14 : memref<!tpu.dma_semaphore, #tpu.memory_space<semaphore_mem>>)
    %add3A_73 = arith.constant 51200 : i32
    %add3A_74 = arith.addi %mul3A_2, %add3A_73 : i32
    %dma_start3A_75 = tpu.memref_slice %arg2[%add3A_74] : memref<3276800xi32, #tpu.memory_space<hbm>> -> memref<12800xi32, #tpu.memory_space<hbm>>
    %dma_start3A_76 = tpu.memref_slice %arg2[%add3A_74] : memref<3276800xi32, #tpu.memory_space<hbm>> -> memref<12800xi32, #tpu.memory_space<hbm>>
    tpu.enqueue_dma source(%dma_start3A_76 : memref<12800xi32, #tpu.memory_space<hbm>>) target(%arg5 : memref<12800xi32, #tpu.memory_space<vmem>>) target_semaphore(%arg11 : memref<!tpu.dma_semaphore, #tpu.memory_space<semaphore_mem>>)
    %add3A_77 = arith.constant 38400 : i32
    %add3A_78 = arith.addi %mul3A_2, %add3A_77 : i32
    %dma_wait3A_79 = tpu.memref_slice %arg2[%add3A_78] : memref<3276800xi32, #tpu.memory_space<hbm>> -> memref<12800xi32, #tpu.memory_space<hbm>>
    %dma_wait3A_80 = tpu.memref_slice %arg2[%add3A_78] : memref<3276800xi32, #tpu.memory_space<hbm>> -> memref<12800xi32, #tpu.memory_space<hbm>>
    tpu.wait_dma2 semaphore(%arg12 : memref<!tpu.dma_semaphore, #tpu.memory_space<semaphore_mem>>) src(%dma_wait3A_80 : memref<12800xi32, #tpu.memory_space<hbm>>) dst(%arg6 : memref<12800xi32, #tpu.memory_space<vmem>>)
    %add3A_81 = arith.constant 12800 : i32
    %add3A_82 = arith.addi %mul3A_2, %add3A_81 : i32
    %dma_wait3A_83 = tpu.memref_slice %arg4[%add3A_82] : memref<3276800xf32, #tpu.memory_space<hbm>> -> memref<12800xf32, #tpu.memory_space<hbm>>
    %dma_wait3A_84 = tpu.memref_slice %arg4[%add3A_82] : memref<3276800xf32, #tpu.memory_space<hbm>> -> memref<12800xf32, #tpu.memory_space<hbm>>
    tpu.wait_dma2 semaphore(%arg15 : memref<!tpu.dma_semaphore, #tpu.memory_space<semaphore_mem>>) src(%arg8 : memref<12800xf32, #tpu.memory_space<vmem>>) dst(%dma_wait3A_84 : memref<12800xf32, #tpu.memory_space<hbm>>)
    %dma_start3A_85 = arith.constant 0 : i32
    %dma_start3A_86 = tpu.memref_slice %arg9[%dma_start3A_85] : memref<1000000xf32, #tpu.memory_space<vmem_shared>> -> memref<1000000xf32, #tpu.memory_space<vmem_shared>>
    tpu.enqueue_indirect_dma source(%dma_start3A_86 : memref<1000000xf32, #tpu.memory_space<vmem_shared>>) target(%arg8 : memref<12800xf32, #tpu.memory_space<vmem>>) offsets(%arg6 : memref<12800xi32, #tpu.memory_space<vmem>>) semaphore(%arg13 : memref<!tpu.dma_semaphore, #tpu.memory_space<semaphore_mem>>)
    %dma_wait3A_87 = arith.constant 0 : i32
    %dma_wait3A_88 = tpu.memref_slice %arg9[%dma_wait3A_87] : memref<1000000xf32, #tpu.memory_space<vmem_shared>> -> memref<1000000xf32, #tpu.memory_space<vmem_shared>>
    tpu.wait_indirect_dma semaphore(%arg13 : memref<!tpu.dma_semaphore, #tpu.memory_space<semaphore_mem>>) src(%dma_wait3A_88 : memref<1000000xf32, #tpu.memory_space<vmem_shared>>) dst(%arg8 : memref<12800xf32, #tpu.memory_space<vmem>>)
    %add3A_89 = arith.constant 38400 : i32
    %add3A_90 = arith.addi %mul3A_2, %add3A_89 : i32
    %dma_start3A_91 = tpu.memref_slice %arg4[%add3A_90] : memref<3276800xf32, #tpu.memory_space<hbm>> -> memref<12800xf32, #tpu.memory_space<hbm>>
    %dma_start3A_92 = tpu.memref_slice %arg4[%add3A_90] : memref<3276800xf32, #tpu.memory_space<hbm>> -> memref<12800xf32, #tpu.memory_space<hbm>>
    tpu.enqueue_dma source(%arg8 : memref<12800xf32, #tpu.memory_space<vmem>>) target(%dma_start3A_92 : memref<12800xf32, #tpu.memory_space<hbm>>) target_semaphore(%arg15 : memref<!tpu.dma_semaphore, #tpu.memory_space<semaphore_mem>>)
    %add3A_93 = arith.constant 64000 : i32
    %add3A_94 = arith.addi %mul3A_2, %add3A_93 : i32
    %dma_start3A_95 = tpu.memref_slice %arg2[%add3A_94] : memref<3276800xi32, #tpu.memory_space<hbm>> -> memref<12800xi32, #tpu.memory_space<hbm>>
    %dma_start3A_96 = tpu.memref_slice %arg2[%add3A_94] : memref<3276800xi32, #tpu.memory_space<hbm>> -> memref<12800xi32, #tpu.memory_space<hbm>>
    tpu.enqueue_dma source(%dma_start3A_96 : memref<12800xi32, #tpu.memory_space<hbm>>) target(%arg6 : memref<12800xi32, #tpu.memory_space<vmem>>) target_semaphore(%arg12 : memref<!tpu.dma_semaphore, #tpu.memory_space<semaphore_mem>>)
    %add3A_97 = arith.constant 51200 : i32
    %add3A_98 = arith.addi %mul3A_2, %add3A_97 : i32
    %dma_wait3A_99 = tpu.memref_slice %arg2[%add3A_98] : memref<3276800xi32, #tpu.memory_space<hbm>> -> memref<12800xi32, #tpu.memory_space<hbm>>
    %dma_wait3A_100 = tpu.memref_slice %arg2[%add3A_98] : memref<3276800xi32, #tpu.memory_space<hbm>> -> memref<12800xi32, #tpu.memory_space<hbm>>
    tpu.wait_dma2 semaphore(%arg11 : memref<!tpu.dma_semaphore, #tpu.memory_space<semaphore_mem>>) src(%dma_wait3A_100 : memref<12800xi32, #tpu.memory_space<hbm>>) dst(%arg5 : memref<12800xi32, #tpu.memory_space<vmem>>)
    %add3A_101 = arith.constant 25600 : i32
    %add3A_102 = arith.addi %mul3A_2, %add3A_101 : i32
    %dma_wait3A_103 = tpu.memref_slice %arg4[%add3A_102] : memref<3276800xf32, #tpu.memory_space<hbm>> -> memref<12800xf32, #tpu.memory_space<hbm>>
    %dma_wait3A_104 = tpu.memref_slice %arg4[%add3A_102] : memref<3276800xf32, #tpu.memory_space<hbm>> -> memref<12800xf32, #tpu.memory_space<hbm>>
    tpu.wait_dma2 semaphore(%arg14 : memref<!tpu.dma_semaphore, #tpu.memory_space<semaphore_mem>>) src(%arg7 : memref<12800xf32, #tpu.memory_space<vmem>>) dst(%dma_wait3A_104 : memref<12800xf32, #tpu.memory_space<hbm>>)
    %dma_start3A_105 = arith.constant 0 : i32
    %dma_start3A_106 = tpu.memref_slice %arg9[%dma_start3A_105] : memref<1000000xf32, #tpu.memory_space<vmem_shared>> -> memref<1000000xf32, #tpu.memory_space<vmem_shared>>
    tpu.enqueue_indirect_dma source(%dma_start3A_106 : memref<1000000xf32, #tpu.memory_space<vmem_shared>>) target(%arg7 : memref<12800xf32, #tpu.memory_space<vmem>>) offsets(%arg5 : memref<12800xi32, #tpu.memory_space<vmem>>) semaphore(%arg13 : memref<!tpu.dma_semaphore, #tpu.memory_space<semaphore_mem>>)
    %dma_wait3A_107 = arith.constant 0 : i32
    %dma_wait3A_108 = tpu.memref_slice %arg9[%dma_wait3A_107] : memref<1000000xf32, #tpu.memory_space<vmem_shared>> -> memref<1000000xf32, #tpu.memory_space<vmem_shared>>
    tpu.wait_indirect_dma semaphore(%arg13 : memref<!tpu.dma_semaphore, #tpu.memory_space<semaphore_mem>>) src(%dma_wait3A_108 : memref<1000000xf32, #tpu.memory_space<vmem_shared>>) dst(%arg7 : memref<12800xf32, #tpu.memory_space<vmem>>)
    %add3A_109 = arith.constant 51200 : i32
    %add3A_110 = arith.addi %mul3A_2, %add3A_109 : i32
    %dma_start3A_111 = tpu.memref_slice %arg4[%add3A_110] : memref<3276800xf32, #tpu.memory_space<hbm>> -> memref<12800xf32, #tpu.memory_space<hbm>>
    %dma_start3A_112 = tpu.memref_slice %arg4[%add3A_110] : memref<3276800xf32, #tpu.memory_space<hbm>> -> memref<12800xf32, #tpu.memory_space<hbm>>
    tpu.enqueue_dma source(%arg7 : memref<12800xf32, #tpu.memory_space<vmem>>) target(%dma_start3A_112 : memref<12800xf32, #tpu.memory_space<hbm>>) target_semaphore(%arg14 : memref<!tpu.dma_semaphore, #tpu.memory_space<semaphore_mem>>)
    %add3A_113 = arith.constant 76800 : i32
    %add3A_114 = arith.addi %mul3A_2, %add3A_113 : i32
    %dma_start3A_115 = tpu.memref_slice %arg2[%add3A_114] : memref<3276800xi32, #tpu.memory_space<hbm>> -> memref<12800xi32, #tpu.memory_space<hbm>>
    %dma_start3A_116 = tpu.memref_slice %arg2[%add3A_114] : memref<3276800xi32, #tpu.memory_space<hbm>> -> memref<12800xi32, #tpu.memory_space<hbm>>
    tpu.enqueue_dma source(%dma_start3A_116 : memref<12800xi32, #tpu.memory_space<hbm>>) target(%arg5 : memref<12800xi32, #tpu.memory_space<vmem>>) target_semaphore(%arg11 : memref<!tpu.dma_semaphore, #tpu.memory_space<semaphore_mem>>)
    %add3A_117 = arith.constant 64000 : i32
    %add3A_118 = arith.addi %mul3A_2, %add3A_117 : i32
    %dma_wait3A_119 = tpu.memref_slice %arg2[%add3A_118] : memref<3276800xi32, #tpu.memory_space<hbm>> -> memref<12800xi32, #tpu.memory_space<hbm>>
    %dma_wait3A_120 = tpu.memref_slice %arg2[%add3A_118] : memref<3276800xi32, #tpu.memory_space<hbm>> -> memref<12800xi32, #tpu.memory_space<hbm>>
    tpu.wait_dma2 semaphore(%arg12 : memref<!tpu.dma_semaphore, #tpu.memory_space<semaphore_mem>>) src(%dma_wait3A_120 : memref<12800xi32, #tpu.memory_space<hbm>>) dst(%arg6 : memref<12800xi32, #tpu.memory_space<vmem>>)
    %add3A_121 = arith.constant 38400 : i32
    %add3A_122 = arith.addi %mul3A_2, %add3A_121 : i32
    %dma_wait3A_123 = tpu.memref_slice %arg4[%add3A_122] : memref<3276800xf32, #tpu.memory_space<hbm>> -> memref<12800xf32, #tpu.memory_space<hbm>>
    %dma_wait3A_124 = tpu.memref_slice %arg4[%add3A_122] : memref<3276800xf32, #tpu.memory_space<hbm>> -> memref<12800xf32, #tpu.memory_space<hbm>>
    tpu.wait_dma2 semaphore(%arg15 : memref<!tpu.dma_semaphore, #tpu.memory_space<semaphore_mem>>) src(%arg8 : memref<12800xf32, #tpu.memory_space<vmem>>) dst(%dma_wait3A_124 : memref<12800xf32, #tpu.memory_space<hbm>>)
    %dma_start3A_125 = arith.constant 0 : i32
    %dma_start3A_126 = tpu.memref_slice %arg9[%dma_start3A_125] : memref<1000000xf32, #tpu.memory_space<vmem_shared>> -> memref<1000000xf32, #tpu.memory_space<vmem_shared>>
    tpu.enqueue_indirect_dma source(%dma_start3A_126 : memref<1000000xf32, #tpu.memory_space<vmem_shared>>) target(%arg8 : memref<12800xf32, #tpu.memory_space<vmem>>) offsets(%arg6 : memref<12800xi32, #tpu.memory_space<vmem>>) semaphore(%arg13 : memref<!tpu.dma_semaphore, #tpu.memory_space<semaphore_mem>>)
    %dma_wait3A_127 = arith.constant 0 : i32
    %dma_wait3A_128 = tpu.memref_slice %arg9[%dma_wait3A_127] : memref<1000000xf32, #tpu.memory_space<vmem_shared>> -> memref<1000000xf32, #tpu.memory_space<vmem_shared>>
    tpu.wait_indirect_dma semaphore(%arg13 : memref<!tpu.dma_semaphore, #tpu.memory_space<semaphore_mem>>) src(%dma_wait3A_128 : memref<1000000xf32, #tpu.memory_space<vmem_shared>>) dst(%arg8 : memref<12800xf32, #tpu.memory_space<vmem>>)
    %add3A_129 = arith.constant 64000 : i32
    %add3A_130 = arith.addi %mul3A_2, %add3A_129 : i32
    %dma_start3A_131 = tpu.memref_slice %arg4[%add3A_130] : memref<3276800xf32, #tpu.memory_space<hbm>> -> memref<12800xf32, #tpu.memory_space<hbm>>
    %dma_start3A_132 = tpu.memref_slice %arg4[%add3A_130] : memref<3276800xf32, #tpu.memory_space<hbm>> -> memref<12800xf32, #tpu.memory_space<hbm>>
    tpu.enqueue_dma source(%arg8 : memref<12800xf32, #tpu.memory_space<vmem>>) target(%dma_start3A_132 : memref<12800xf32, #tpu.memory_space<hbm>>) target_semaphore(%arg15 : memref<!tpu.dma_semaphore, #tpu.memory_space<semaphore_mem>>)
    %add3A_133 = arith.constant 89600 : i32
    %add3A_134 = arith.addi %mul3A_2, %add3A_133 : i32
    %dma_start3A_135 = tpu.memref_slice %arg2[%add3A_134] : memref<3276800xi32, #tpu.memory_space<hbm>> -> memref<12800xi32, #tpu.memory_space<hbm>>
    %dma_start3A_136 = tpu.memref_slice %arg2[%add3A_134] : memref<3276800xi32, #tpu.memory_space<hbm>> -> memref<12800xi32, #tpu.memory_space<hbm>>
    tpu.enqueue_dma source(%dma_start3A_136 : memref<12800xi32, #tpu.memory_space<hbm>>) target(%arg6 : memref<12800xi32, #tpu.memory_space<vmem>>) target_semaphore(%arg12 : memref<!tpu.dma_semaphore, #tpu.memory_space<semaphore_mem>>)
    %add3A_137 = arith.constant 76800 : i32
    %add3A_138 = arith.addi %mul3A_2, %add3A_137 : i32
    %dma_wait3A_139 = tpu.memref_slice %arg2[%add3A_138] : memref<3276800xi32, #tpu.memory_space<hbm>> -> memref<12800xi32, #tpu.memory_space<hbm>>
    %dma_wait3A_140 = tpu.memref_slice %arg2[%add3A_138] : memref<3276800xi32, #tpu.memory_space<hbm>> -> memref<12800xi32, #tpu.memory_space<hbm>>
    tpu.wait_dma2 semaphore(%arg11 : memref<!tpu.dma_semaphore, #tpu.memory_space<semaphore_mem>>) src(%dma_wait3A_140 : memref<12800xi32, #tpu.memory_space<hbm>>) dst(%arg5 : memref<12800xi32, #tpu.memory_space<vmem>>)
    %add3A_141 = arith.constant 51200 : i32
    %add3A_142 = arith.addi %mul3A_2, %add3A_141 : i32
    %dma_wait3A_143 = tpu.memref_slice %arg4[%add3A_142] : memref<3276800xf32, #tpu.memory_space<hbm>> -> memref<12800xf32, #tpu.memory_space<hbm>>
    %dma_wait3A_144 = tpu.memref_slice %arg4[%add3A_142] : memref<3276800xf32, #tpu.memory_space<hbm>> -> memref<12800xf32, #tpu.memory_space<hbm>>
    tpu.wait_dma2 semaphore(%arg14 : memref<!tpu.dma_semaphore, #tpu.memory_space<semaphore_mem>>) src(%arg7 : memref<12800xf32, #tpu.memory_space<vmem>>) dst(%dma_wait3A_144 : memref<12800xf32, #tpu.memory_space<hbm>>)
    %dma_start3A_145 = arith.constant 0 : i32
    %dma_start3A_146 = tpu.memref_slice %arg9[%dma_start3A_145] : memref<1000000xf32, #tpu.memory_space<vmem_shared>> -> memref<1000000xf32, #tpu.memory_space<vmem_shared>>
    tpu.enqueue_indirect_dma source(%dma_start3A_146 : memref<1000000xf32, #tpu.memory_space<vmem_shared>>) target(%arg7 : memref<12800xf32, #tpu.memory_space<vmem>>) offsets(%arg5 : memref<12800xi32, #tpu.memory_space<vmem>>) semaphore(%arg13 : memref<!tpu.dma_semaphore, #tpu.memory_space<semaphore_mem>>)
    %dma_wait3A_147 = arith.constant 0 : i32
    %dma_wait3A_148 = tpu.memref_slice %arg9[%dma_wait3A_147] : memref<1000000xf32, #tpu.memory_space<vmem_shared>> -> memref<1000000xf32, #tpu.memory_space<vmem_shared>>
    tpu.wait_indirect_dma semaphore(%arg13 : memref<!tpu.dma_semaphore, #tpu.memory_space<semaphore_mem>>) src(%dma_wait3A_148 : memref<1000000xf32, #tpu.memory_space<vmem_shared>>) dst(%arg7 : memref<12800xf32, #tpu.memory_space<vmem>>)
    %add3A_149 = arith.constant 76800 : i32
    %add3A_150 = arith.addi %mul3A_2, %add3A_149 : i32
    %dma_start3A_151 = tpu.memref_slice %arg4[%add3A_150] : memref<3276800xf32, #tpu.memory_space<hbm>> -> memref<12800xf32, #tpu.memory_space<hbm>>
    %dma_start3A_152 = tpu.memref_slice %arg4[%add3A_150] : memref<3276800xf32, #tpu.memory_space<hbm>> -> memref<12800xf32, #tpu.memory_space<hbm>>
    tpu.enqueue_dma source(%arg7 : memref<12800xf32, #tpu.memory_space<vmem>>) target(%dma_start3A_152 : memref<12800xf32, #tpu.memory_space<hbm>>) target_semaphore(%arg14 : memref<!tpu.dma_semaphore, #tpu.memory_space<semaphore_mem>>)
    %add3A_153 = arith.constant 89600 : i32
    %add3A_154 = arith.addi %mul3A_2, %add3A_153 : i32
    %dma_wait3A_155 = tpu.memref_slice %arg2[%add3A_154] : memref<3276800xi32, #tpu.memory_space<hbm>> -> memref<12800xi32, #tpu.memory_space<hbm>>
    %dma_wait3A_156 = tpu.memref_slice %arg2[%add3A_154] : memref<3276800xi32, #tpu.memory_space<hbm>> -> memref<12800xi32, #tpu.memory_space<hbm>>
    tpu.wait_dma2 semaphore(%arg12 : memref<!tpu.dma_semaphore, #tpu.memory_space<semaphore_mem>>) src(%dma_wait3A_156 : memref<12800xi32, #tpu.memory_space<hbm>>) dst(%arg6 : memref<12800xi32, #tpu.memory_space<vmem>>)
    %add3A_157 = arith.constant 64000 : i32
    %add3A_158 = arith.addi %mul3A_2, %add3A_157 : i32
    %dma_wait3A_159 = tpu.memref_slice %arg4[%add3A_158] : memref<3276800xf32, #tpu.memory_space<hbm>> -> memref<12800xf32, #tpu.memory_space<hbm>>
    %dma_wait3A_160 = tpu.memref_slice %arg4[%add3A_158] : memref<3276800xf32, #tpu.memory_space<hbm>> -> memref<12800xf32, #tpu.memory_space<hbm>>
    tpu.wait_dma2 semaphore(%arg15 : memref<!tpu.dma_semaphore, #tpu.memory_space<semaphore_mem>>) src(%arg8 : memref<12800xf32, #tpu.memory_space<vmem>>) dst(%dma_wait3A_160 : memref<12800xf32, #tpu.memory_space<hbm>>)
    %dma_start3A_161 = arith.constant 0 : i32
    %dma_start3A_162 = tpu.memref_slice %arg9[%dma_start3A_161] : memref<1000000xf32, #tpu.memory_space<vmem_shared>> -> memref<1000000xf32, #tpu.memory_space<vmem_shared>>
    tpu.enqueue_indirect_dma source(%dma_start3A_162 : memref<1000000xf32, #tpu.memory_space<vmem_shared>>) target(%arg8 : memref<12800xf32, #tpu.memory_space<vmem>>) offsets(%arg6 : memref<12800xi32, #tpu.memory_space<vmem>>) semaphore(%arg13 : memref<!tpu.dma_semaphore, #tpu.memory_space<semaphore_mem>>)
    %dma_wait3A_163 = arith.constant 0 : i32
    %dma_wait3A_164 = tpu.memref_slice %arg9[%dma_wait3A_163] : memref<1000000xf32, #tpu.memory_space<vmem_shared>> -> memref<1000000xf32, #tpu.memory_space<vmem_shared>>
    tpu.wait_indirect_dma semaphore(%arg13 : memref<!tpu.dma_semaphore, #tpu.memory_space<semaphore_mem>>) src(%dma_wait3A_164 : memref<1000000xf32, #tpu.memory_space<vmem_shared>>) dst(%arg8 : memref<12800xf32, #tpu.memory_space<vmem>>)
    %add3A_165 = arith.constant 89600 : i32
    %add3A_166 = arith.addi %mul3A_2, %add3A_165 : i32
    %dma_start3A_167 = tpu.memref_slice %arg4[%add3A_166] : memref<3276800xf32, #tpu.memory_space<hbm>> -> memref<12800xf32, #tpu.memory_space<hbm>>
    %dma_start3A_168 = tpu.memref_slice %arg4[%add3A_166] : memref<3276800xf32, #tpu.memory_space<hbm>> -> memref<12800xf32, #tpu.memory_space<hbm>>
    tpu.enqueue_dma source(%arg8 : memref<12800xf32, #tpu.memory_space<vmem>>) target(%dma_start3A_168 : memref<12800xf32, #tpu.memory_space<hbm>>) target_semaphore(%arg15 : memref<!tpu.dma_semaphore, #tpu.memory_space<semaphore_mem>>)
    %add3A_169 = arith.constant 76800 : i32
    %add3A_170 = arith.addi %mul3A_2, %add3A_169 : i32
    %dma_wait3A_171 = tpu.memref_slice %arg4[%add3A_170] : memref<3276800xf32, #tpu.memory_space<hbm>> -> memref<12800xf32, #tpu.memory_space<hbm>>
    %dma_wait3A_172 = tpu.memref_slice %arg4[%add3A_170] : memref<3276800xf32, #tpu.memory_space<hbm>> -> memref<12800xf32, #tpu.memory_space<hbm>>
    tpu.wait_dma2 semaphore(%arg14 : memref<!tpu.dma_semaphore, #tpu.memory_space<semaphore_mem>>) src(%arg7 : memref<12800xf32, #tpu.memory_space<vmem>>) dst(%dma_wait3A_172 : memref<12800xf32, #tpu.memory_space<hbm>>)
    %add3A_173 = arith.constant 89600 : i32
    %add3A_174 = arith.addi %mul3A_2, %add3A_173 : i32
    %dma_wait3A_175 = tpu.memref_slice %arg4[%add3A_174] : memref<3276800xf32, #tpu.memory_space<hbm>> -> memref<12800xf32, #tpu.memory_space<hbm>>
    %dma_wait3A_176 = tpu.memref_slice %arg4[%add3A_174] : memref<3276800xf32, #tpu.memory_space<hbm>> -> memref<12800xf32, #tpu.memory_space<hbm>>
    tpu.wait_dma2 semaphore(%arg15 : memref<!tpu.dma_semaphore, #tpu.memory_space<semaphore_mem>>) src(%arg8 : memref<12800xf32, #tpu.memory_space<vmem>>) dst(%dma_wait3A_176 : memref<12800xf32, #tpu.memory_space<hbm>>)
    return
  }
}

</mosaic_0001>

<sc_bundles>
// kernel: kernel.3.cloned.1.call-start
scs
__scs_entry_jumppad:
0x0: {  	(pc) =	sbr.rel $0x88, $3  }
0x1: {  	(tag) =	ssettag $0x0;
	lr =	simm.s32 $0x1  }
0x2: {  	[smem:$0x3F9F] =	sst lr;
	_ =	strace $0xD0000000  }
0x3: {  	_ = 	snop  }
0x4: {  	_ = 	snop  }
0x5: {  	_ = 	snop  }
0x6: {  	_ = 	snop  }
0x7: {  	_ = 	snop  }
__scs_overlays_trampoline_lowered:
0x8: {  	[smem:$0x3FAE] =	sst s0  }
0x9: {  	[smem:$0x3FAF] =	sst s1  }
0xa: {  	[smem:$0x3FB0] =	sst s2  }
0xb: {  	[smem:$0x3FB1] =	sst s3  }
0xc: {  	[smem:$0x3FB2] =	sst s4  }
0xd: {  	[smem:$0x3FB3] =	sst s5  }
0xe: {  	[smem:$0x3FB4] =	sst s6  }
0xf: {  	[smem:$0x3FB5] =	sst s7  }
0x10: {  	[smem:$0x3FB6] =	sst s8  }
0x11: {  	[smem:$0x3FB7] =	sst s9;
	s0 =	simm.s32 @!p0 $0x0  }
0x12: {  	s1 =	sld [smem:$0x3F9D];
	s0 =	simm.s32 @p0 $0x1  }
0x13: {  	[smem:$0x3FB8] =	sst s0;
	s0 =	simm.s32 @!p1 $0x0  }
0x14: {  	s2 =	sld [smem:$0x3F9C];
	s0 =	simm.s32 @p1 $0x1  }
0x15: {  	[smem:$0x3FB9] =	sst s0;
	s0 =	simm.s32 @!p2 $0x0  }
0x16: {  	s3 =	sld [smem:$0x3FDB];
	s0 =	simm.s32 @p2 $0x1  }
0x17: {  	s4 =	simm.s32 $0x1BF5;
	[smem:$0x3FBB] =	sst s0  }
0x18: {  	s0 =	sld [smem:$0x3F9E];
	_ =	swait.ge [sflag:s4], $0x0  }
0x19: {  	s7 =	sld [smem:$0x3F9F]  }
0x1a: {  	s8 =	sadd.s32 $0xFFFFE003, lr  }
0x1b: {  	s9 =	sadd.s32 $0xFFFFFEF7, lr;
	s5 =	simm.s32 $0xFFFFFFFF;
	p2 =	slt.u32 s8, $0xFFFFF086  }
0x1c: {  	p1 =	slt.u32 s9, $0xF7A;
	s5 =	simm.s32 @!p2 $0x0  }
0x1d: {  	s5 =	simm.s32 @p1 $0x1;
	p0 =	seq.s32 s7, s2  }
0x1e: {  	s7 =	smul.u32 @!p0 $0xF7A, s2;
	p2 =	seq.s32 @!p0 s5, $0x0  }
0x1f: {  	s9 =	smul.u32 $0xF7A, s1;
	s8 =	simm.s32 @!p0 $0x1BF5;
	p2 =	por !p2, p0  }
0x20: {  	[sflag:s8] =	ssyncset.s32 @!p0 $0xFFFFF086;
	s6 =	sadd.s32 @!p0 s3, s7;
	s7 =	simm.s32 @!p0 $0x108  }
0x21: {  	s3 =	sadd.s32 s3, s9;
	s6 =	sadd.s32 @!p0 $0x88, s6;
	s7 =	simm.s32 @p2 $0x1082  }
0x22: {  	[simem:s7], [sflag:s8] =	dma.local @!p0 [hbm:s6], $0xF7A  }
0x23: {  	s9 =	sor.u32 $0xD0000000, s2;
	s6 =	simm.s32 $0x108;
	_ =	swait.ge @!p0 [sflag:s8], $0x0  }
0x24: {  	s3 =	sadd.s32 $0x88, s3;
	s6 =	simm.s32 @!p1 $0x1082;
	[sflag:s4] =	ssyncset.s32 $0xFFFFF086  }
0x25: {  	[simem:s6], [sflag:s4] =	dma.local [hbm:s3], $0xF7A  }
0x26: {  	[smem:$0x3F9F] =	sst s1;
	(tag) =	ssettag s2;
	_ =	strace s9  }
0x27: {  	s1 =	sld [smem:$0x3FAF]  }
0x28: {  	s2 =	sld [smem:$0x3FB0]  }
0x29: {  	s4 =	sld [smem:$0x3FB2]  }
0x2a: {  	p0 =	seq.s32 s5, $0x0;
	s5 =	sld [smem:$0x3FB3]  }
0x2b: {  	s6 =	sld [smem:$0x3FB4]  }
0x2c: {  	s7 =	sld [smem:$0x3FB5]  }
0x2d: {  	s3 =	simm.s32 $0x108;
	s8 =	sld [smem:$0x3FB6]  }
0x2e: {  	s3 =	simm.s32 @!p0 $0x1082;
	s9 =	sld [smem:$0x3FB7]  }
0x2f: {  	lr =	sadd.s32 s0, s3;
	s0 =	sld [smem:$0x3FAE]  }
0x30: {  	s3 =	sld [smem:$0x3FB1]  }
0x31: {  	[smem:$0x3FBA] =	sst s10  }
0x32: {  	s10 =	sld [smem:$0x3FB8];
	_ =	sdelay $0x3  }
0x33: {  	p0 =	seq.s32 s10, $0x1;
	s10 =	sld [smem:$0x3FBA];
	_ =	sdelay $0x3  }
0x34: {  	[smem:$0x3FBA] =	sst s10  }
0x35: {  	s10 =	sld [smem:$0x3FB9];
	_ =	sdelay $0x3  }
0x36: {  	p1 =	seq.s32 s10, $0x1;
	s10 =	sld [smem:$0x3FBA];
	_ =	sdelay $0x3  }
0x37: {  	[smem:$0x3FBA] =	sst s10  }
0x38: {  	s10 =	sld [smem:$0x3FBB]  }
0x39: {  	_ = 	snop;
	(pc) =	sbr.ind lr, $3  }
0x3a: {  	_ = 	snop  }
0x3b: {  	_ = 	snop  }
0x3c: {  	p2 =	seq.s32 s10, $0x1;
	s10 =	sld [smem:$0x3FBA]  }
0x3d: {  	_ =	shalt  }
0x3e: {  	_ =	shalt  }
0x3f: {  	_ =	shalt  }
0x40: {  	_ =	shalt  }
0x41: {  	_ =	shalt  }
0x42: {  	_ =	shalt  }
0x43: {  	_ =	shalt  }
0x44: {  	_ =	shalt  }
0x45: {  	_ =	shalt  }
0x46: {  	_ =	shalt  }
0x47: {  	_ =	shalt  }
0x48: {  	_ =	shalt  }
0x49: {  	_ =	shalt  }
0x4a: {  	_ =	shalt  }
0x4b: {  	_ =	shalt  }
0x4c: {  	_ =	shalt  }
0x4d: {  	_ =	shalt  }
0x4e: {  	_ =	shalt  }
0x4f: {  	_ =	shalt  }
0x50: {  	_ =	shalt  }
0x51: {  	_ =	shalt  }
0x52: {  	_ =	shalt  }
0x53: {  	_ =	shalt  }
0x54: {  	_ =	shalt  }
0x55: {  	_ =	shalt  }
0x56: {  	_ =	shalt  }
0x57: {  	_ =	shalt  }
0x58: {  	_ =	shalt  }
0x59: {  	_ =	shalt  }
0x5a: {  	_ =	shalt  }
0x5b: {  	_ =	shalt  }
0x5c: {  	_ =	shalt  }
0x5d: {  	_ =	shalt  }
0x5e: {  	_ =	shalt  }
0x5f: {  	_ =	shalt  }
0x60: {  	_ =	shalt  }
0x61: {  	_ =	shalt  }
0x62: {  	_ =	shalt  }
0x63: {  	_ =	shalt  }
0x64: {  	_ =	shalt  }
0x65: {  	_ =	shalt  }
0x66: {  	_ =	shalt  }
0x67: {  	_ =	shalt  }
0x68: {  	_ =	shalt  }
0x69: {  	_ =	shalt  }
0x6a: {  	_ =	shalt  }
0x6b: {  	_ =	shalt  }
0x6c: {  	_ =	shalt  }
0x6d: {  	_ =	shalt  }
0x6e: {  	_ =	shalt  }
0x6f: {  	_ =	shalt  }
0x70: {  	_ =	shalt  }
0x71: {  	_ =	shalt  }
0x72: {  	_ =	shalt  }
0x73: {  	_ =	shalt  }
0x74: {  	_ =	shalt  }
0x75: {  	_ =	shalt  }
0x76: {  	_ =	shalt  }
0x77: {  	_ =	shalt  }
0x78: {  	_ =	shalt  }
0x79: {  	_ =	shalt  }
0x7a: {  	_ =	shalt  }
0x7b: {  	_ =	shalt  }
0x7c: {  	_ =	shalt  }
0x7d: {  	_ =	shalt  }
0x7e: {  	_ =	shalt  }
0x7f: {  	_ =	shalt  }
0x80: {  	_ =	shalt  }
0x81: {  	_ =	shalt  }
0x82: {  	_ =	shalt  }
0x83: {  	_ =	shalt  }
0x84: {  	_ =	shalt  }
0x85: {  	_ =	shalt  }
0x86: {  	_ =	shalt  }
0x87: {  	_ =	shalt  }
.Lfunc_end0:
.L_simem_size_0:
called_computation_lowered:
.L_overlay_start_0:
0x88: {  	s2 =	sld [smem:$0x3FD9]  }
0x89: {  	s3 =	sld [smem:$0x3FFE];
	_ =	sdelay $0x1  }
0x8a: {  	s1 =	srdreg.scid  }
0x8b: {  	s0 =	sand.u32 $0x1, s1  }
0x8c: {  	s17 =	sshll.u32 s0, $0xA;
	s2 =	sadd.s32 s3, s2  }
0x8d: {  	s2 =	sadd.s32 s2, s17  }
0x8e: {  	[smem:$0x3FC6] =	sst s2  }
0x8f: {  	_ = 	snop  }
0x90: {  	s2 =	sld [smem:$0x3FC8]  }
0x91: {  	s18 =	sld [smem:$0x3FD0];
	(tm) =	ssettm $0x1  }
0x92: {  	s4 =	sld [smem:$0x3FFB];
	_ =	sdelay $0x3  }
0x93: {  	_ =	strace s4  }
0x94: {  	s4 =	sld [smem:$0x3FFC];
	_ =	sdelay $0x3  }
0x95: {  	_ =	strace s4  }
0x96: {  	s4 =	sld [smem:$0x3FFD];
	_ =	sdelay $0x3  }
0x97: {  	_ =	strace s4  }
0x98: {  	_ =	strace $0x8FFFFFFF  }
0x99: {  	s19 =	sld [smem:$0x3FDB];
	_ =	sdelay $0x1  }
0x9a: {  	s5 =	simm.s32 $_scs_section_size  }
0x9b: {  	s6 =	simm.s32 $_size__tile_overlayer_lowered;
	s7 =	simm.s32 $_tile_overlayer_lowered  }
0x9c: {  	s22 =	simm.s32 $0x1BFF;
	s21 =	sshll.u32 s7, $0x1;
	s4 =	sadd.s32 s5, s19  }
0x9d: {  	s8 =	simm.s32 $0x0;
	s20 =	sshll.u32 s6, $0x1;
	s6 =	sadd.s32 s21, s4  }
0x9e: {  	[timem:s8], [sflag:s22] =	dma.local [hbm:s6], s20  }
0x9f: {  	_ =	swait.ge [sflag:s22], s20  }
0xa0: {  	s5 =	ssub.s32 $0x0, s20;
	[sflag:s22] =	ssyncset.done $0x0  }
0xa1: {  	[sflag:s22] =	ssyncadd.s32 s5;
	_ =	sdelay $0x1  }
0xa2: {  	s23 =	simm.s32 $0x1B8B  }
0xa3: {  	_ =	swait.ge [sflag:s23], $0x1  }
0xa4: {  	[sflag:s23] =	ssyncset.done $0x0  }
0xa5: {  	s25 =	simm.s32 $0x1B8E;
	s24 =	sld [smem:$0x3FFE];
	[sflag:s23] =	ssyncadd.s32 $0xFFFFFFFF  }
0xa6: {  	s26 =	simm.s32 $execute0_lowered;
	[smem:$0x3FD2] =	sst s25  }
0xa7: {  	s6 =	sshll.u32 s26, $0x1;
	_ =	strace $0x80000046;
	[dreg:$0x1] =	wrdreg $0xFFFFFFFF  }
0xa8: {  	s28 =	simm.s32 $_size_execute0_lowered;
	s4 =	sadd.s32 s4, s6;
	[dreg:$0x0] =	wrdreg $0x0  }
0xa9: {  	s6 =	sshll.u32 s28, $0x1;
	[dreg:$0x2] =	wrdreg s4  }
0xaa: {  	[dreg:$0x3] =	wrdreg s6  }
0xab: {  	[dreg:$0x4] =	wrdreg $0xC0  }
0xac: {  	_ =	task [dreg:s8], $0x5FFFF  }
0xad: {  	[dreg:$0x1] =	wrdreg $0xFFFFFFFF  }
0xae: {  	[dreg:$0x0] =	wrdreg $0x60  }
0xaf: {  	[dreg:$0x2] =	wrdreg s18  }
0xb0: {  	[dreg:$0x3] =	wrdreg s2  }
0xb1: {  	[dreg:$0x4] =	wrdreg s24  }
0xb2: {  	[dreg:$0x5] =	wrdreg $0xC8000  }
0xb3: {  	[dreg:$0x6] =	wrdreg $0x9  }
0xb4: {  	_ =	task.clear_ibuf [dreg:s8], $0x7FFFF;
	_ =	strace $0x90000046  }
0xb5: {  	s29 =	simm.s32 $0x9;
	_ =	strace $0x80000048  }
0xb6: {  	_ =	swait.ge [sflag:s29], $0x1  }
0xb7: {  	[sflag:s29] =	ssyncadd.s32 $0xFFFFFFFF  }
0xb8: {  	_ =	strace $0x90000048  }
0xb9: {  	_ =	sfence  }
0xba: {  	s30 =	sld [smem:$0x0];
	_ =	sdelay $0x2  }
0xbb: {  	s31 =	sshll.u32 s1, $0xD;
	s1 =	sshrl.u32 s1, $0x2  }
0xbc: {  	s3 =	sand.u32 $0x4000, s31;
	s1 =	sadd.s32 s1, s30  }
0xbd: {  	s0 =	sor.u32 s3, s0;
	s1 =	sshll.u32 s1, $0x11  }
0xbe: {  	s0 =	sor.u32 s1, s0  }
0xbf: {  	s0 =	sadd.s32 $0x8F2B, s0  }
0xc0: {  	[sflag:s0] =	ssyncadd.remote.s32 $0x1  }
0xc1: {  	_ =	sfence.sel $0xFFFF  }
0xc2: {  	[dreg:$0x0] =	wrdreg $0xFFFFFFFF;
	(pc) =	sbr.abs _section_cstart, $3  }
0xc3: {  	[dreg:$0x1] =	wrdreg $0xFFFFFFFF  }
0xc4: {  	_ =	task.clear_ibuf [dreg:s8], $0x2FFFF;
	_ =	strace $0x9FFFFFFF  }
0xc5: {  	(tm) =	ssettm $0x7FFFFFFF  }
tec
execute0_lowered:
.L_overlay_start_1:
0x0: {  	(tag) =	ssettag $0x1  }
0x1: {  	s3 =	rddreg [dreg:$0x0]  }
0x2: {  	s0 =	rddreg [dreg:$0x1]  }
0x3: {  	s5 =	rddreg [dreg:$0x2]  }
0x4: {  	s2 =	rddreg [dreg:$0x3];
	s4 =	stileid.u32  }
0x5: {  	s28 =	rddreg [dreg:$0x4];
	s1 =	simm.s32 $0x0;
	s7 =	srdreg.scid  }
0x6: {  	p1 =	por $0x0, $0x0;
	s6 =	smul.u32 $0xF420, s4;
	[smem:$0x7FF] =	sst s1  }
0x7: {  	s7 =	sand.u32 $0x1, s7;
	s9 =	sshll.u32 s4, $0x1;
	s5 =	sadd.s32 $0x400, s5  }
0x8: {  	p0 =	sne.s32 s4, $0x0;
	s4 =	simm.s32 $0x3200;
	_ =	strace $0x80000047  }
0x9: {  	s9 =	sor.u32 s7, s9;
	s7 =	ssub.s32 $0x2, s7;
	s8 =	sshrl.u32 s6, $0x3  }
0xa: {  	s10 =	sadd.s32 $0x28B0, s6;
	s13 =	sadd.s32 s6, s2;
	s15 =	sadd.s32 $0x5160, s6  }
0xb: {  	s19 =	sadd.s32 $0x7A10, s6;
	s8 =	sadd.s32 s0, s8;
	[dreg:$0x6] =	wrdreg s13  }
0xc: {  	s23 =	sadd.s32 $0xA2C0, s6;
	s16 =	sadd.s32 s10, s2;
	[dreg:$0x5] =	wrdreg s8  }
0xd: {  	s6 =	sadd.s32 $0xCB70, s6;
	s20 =	sadd.s32 s15, s2;
	[dreg:$0x8] =	wrdreg s16  }
0xe: {  	s9 =	smul.u32 $0x19000, s9;
	s24 =	sadd.s32 s19, s2;
	[dreg:$0xa] =	wrdreg s20  }
0xf: {  	s11 =	sshrl.u32 s10, $0x3;
	s30 =	sadd.s32 s23, s2;
	[dreg:$0xc] =	wrdreg s24  }
0x10: {  	s31 =	sshrl.u32 s6, $0x3;
	s6 =	sadd.s32 s6, s2;
	[dreg:$0xe] =	wrdreg s30  }
0x11: {  	s17 =	sshrl.u32 s15, $0x3;
	s14 =	sadd.s32 s0, s11;
	[dreg:$0x10] =	wrdreg s6  }
0x12: {  	s21 =	sshrl.u32 s19, $0x3;
	s18 =	sadd.s32 s0, s17;
	[dreg:$0x7] =	wrdreg s14  }
0x13: {  	s25 =	sshrl.u32 s23, $0x3;
	s22 =	sadd.s32 s0, s21;
	[dreg:$0x9] =	wrdreg s18  }
0x14: {  	s15 =	sshrl.u32 s7, $0x1;
	s26 =	sadd.s32 s0, s25;
	[dreg:$0xb] =	wrdreg s22  }
0x15: {  	s10 =	sadd.s32 s0, s31;
	s0 =	sadd.s32 $0x1E840, s0;
	[dreg:$0xd] =	wrdreg s26  }
0x16: {  	s11 =	sadd.s32 $0xF4200, s2;
	s12 =	sshrl.u32 s9, $0x3;
	[dreg:$0xf] =	wrdreg s10  }
0x17: {  	s9 =	ssub.s32 s7, s15;
	s8 =	simm.s32 $0x9600;
	[dreg:$0x11] =	wrdreg s0  }
0x18: {  	[dreg:$0x12] =	wrdreg s11;
	s13 =	sadd.s32 s3, s12;
	s14 =	sadd.s32 $0x640, s12  }
0x19: {  	s23 =	sadd.s32 s5, s12;
	s17 =	sadd.s32 $0xC80, s12;
	s18 =	sadd.s32 $0x12C0, s12  }
0x1a: {  	s25 =	sadd.s32 $0x1900, s12;
	s26 =	sadd.s32 $0x1F40, s12;
	s30 =	sadd.s32 $0x2580, s12  }
0x1b: {  	s6 =	sadd.s32 $0x2BC0, s12;
	s31 =	smax.u32 s9, $0x1;
	s11 =	simm.s32 $0x6400  }
0x1c: {  	s10 =	simm.s32 $0x2;
	s9 =	simm.s32 $0x4;
	s0 =	rddreg [dreg:$0x5]  }
0x1d: {  	[dreg:$0x13] =	wrdreg s13;
	s16 =	sadd.s32 s3, s14;
	s24 =	sadd.s32 s3, s17  }
0x1e: {  	s21 =	sadd.s32 s5, s14;
	s22 =	sadd.s32 s3, s18;
	s29 =	sadd.s32 $0xFFFFFFFF, s31  }
0x1f: {  	s19 =	sadd.s32 s5, s17;
	s20 =	sadd.s32 s3, s25;
	p2 =	sne.s32 s29, $0x0  }
.Ltmp0:
0x20: {  	s17 =	sadd.s32 s5, s18;
	s18 =	sadd.s32 s3, s26;
	(pc) =	sbr.rel @!p2 .LBB2_5-.Ltmp0, $4  }
0x21: {  	s15 =	sadd.s32 s5, s25;
	s12 =	sadd.s32 s5, s26;
	s13 =	sadd.s32 s3, s6  }
0x22: {  	s7 =	sadd.s32 s5, s30;
	s26 =	simm.s32 $0x1BC28;
	s25 =	simm.s32 $0x6  }
0x23: {  	s14 =	simm.s32 $0x1;
	[dreg:$0x14] =	wrdreg s16;
	s16 =	sadd.s32 s3, s30  }
0x24: {  	s3 =	sadd.s32 s5, s6;
	s5 =	simm.s32 $0x3;
	s6 =	simm.s32 $0x5  }
0x25: {  	[tilespmem:s26], [sflag:$0x6] =	stream.linear.gather [hbm4b:s0+s1], $0x28B0, $0x38;
	[tilespmem:$0x1E528] =	vst v63  }
0x26: {  	_ =	swait.ge [sflag:s25], $0x28B0  }
0x27: {  	[sflag:s25] =	ssyncset.done $0x0  }
0x28: {  	s0 =	rddreg [dreg:$0x6];
	[sflag:s25] =	ssyncadd.s32 $0xFFFFD750  }
0x29: {  	[spmem:s0] =	stream.linear.scatter [tilespmem:s26], [sflag:$0x6], $0x28B0, $0x38;
	[tilespmem:$0x1E528] =	vst v63  }
0x2a: {  	_ =	swait.ge [sflag:s25], $0x28B0  }
0x2b: {  	[sflag:s25] =	ssyncset.done $0x0  }
0x2c: {  	s0 =	rddreg [dreg:$0x7];
	[sflag:s25] =	ssyncadd.s32 $0xFFFFD750  }
0x2d: {  	[tilespmem:s26], [sflag:$0x6] =	stream.linear.gather [hbm4b:s0+s1], $0x28B0, $0x38;
	[tilespmem:$0x1E528] =	vst v63  }
0x2e: {  	_ =	swait.ge [sflag:s25], $0x28B0  }
0x2f: {  	[sflag:s25] =	ssyncset.done $0x0  }
0x30: {  	s0 =	rddreg [dreg:$0x8];
	[sflag:s25] =	ssyncadd.s32 $0xFFFFD750  }
0x31: {  	[spmem:s0] =	stream.linear.scatter [tilespmem:s26], [sflag:$0x6], $0x28B0, $0x38;
	[tilespmem:$0x1E528] =	vst v63  }
0x32: {  	_ =	swait.ge [sflag:s25], $0x28B0  }
0x33: {  	[sflag:s25] =	ssyncset.done $0x0  }
0x34: {  	s0 =	rddreg [dreg:$0x9];
	[sflag:s25] =	ssyncadd.s32 $0xFFFFD750  }
0x35: {  	[tilespmem:s26], [sflag:$0x6] =	stream.linear.gather [hbm4b:s0+s1], $0x28B0, $0x38;
	[tilespmem:$0x1E528] =	vst v63  }
0x36: {  	_ =	swait.ge [sflag:s25], $0x28B0  }
0x37: {  	[sflag:s25] =	ssyncset.done $0x0  }
0x38: {  	s0 =	rddreg [dreg:$0xa];
	[sflag:s25] =	ssyncadd.s32 $0xFFFFD750  }
0x39: {  	[spmem:s0] =	stream.linear.scatter [tilespmem:s26], [sflag:$0x6], $0x28B0, $0x38;
	[tilespmem:$0x1E528] =	vst v63  }
0x3a: {  	_ =	swait.ge [sflag:s25], $0x28B0  }
0x3b: {  	[sflag:s25] =	ssyncset.done $0x0  }
0x3c: {  	s0 =	rddreg [dreg:$0xb];
	[sflag:s25] =	ssyncadd.s32 $0xFFFFD750  }
0x3d: {  	[tilespmem:s26], [sflag:$0x6] =	stream.linear.gather [hbm4b:s0+s1], $0x28B0, $0x38;
	[tilespmem:$0x1E528] =	vst v63  }
0x3e: {  	_ =	swait.ge [sflag:s25], $0x28B0  }
0x3f: {  	[sflag:s25] =	ssyncset.done $0x0  }
0x40: {  	s0 =	rddreg [dreg:$0xc];
	[sflag:s25] =	ssyncadd.s32 $0xFFFFD750  }
0x41: {  	[spmem:s0] =	stream.linear.scatter [tilespmem:s26], [sflag:$0x6], $0x28B0, $0x38;
	[tilespmem:$0x1E528] =	vst v63  }
0x42: {  	_ =	swait.ge [sflag:s25], $0x28B0  }
0x43: {  	[sflag:s25] =	ssyncset.done $0x0  }
0x44: {  	s0 =	rddreg [dreg:$0xd];
	[sflag:s25] =	ssyncadd.s32 $0xFFFFD750  }
0x45: {  	[tilespmem:s26], [sflag:$0x6] =	stream.linear.gather [hbm4b:s0+s1], $0x28B0, $0x38;
	[tilespmem:$0x1E528] =	vst v63  }
0x46: {  	_ =	swait.ge [sflag:s25], $0x28B0  }
0x47: {  	[sflag:s25] =	ssyncset.done $0x0  }
0x48: {  	s0 =	rddreg [dreg:$0xe];
	[sflag:s25] =	ssyncadd.s32 $0xFFFFD750  }
0x49: {  	[spmem:s0] =	stream.linear.scatter [tilespmem:s26], [sflag:$0x6], $0x28B0, $0x38;
	[tilespmem:$0x1E528] =	vst v63  }
0x4a: {  	_ =	swait.ge [sflag:s25], $0x28B0  }
0x4b: {  	[sflag:s25] =	ssyncset.done $0x0  }
0x4c: {  	s0 =	rddreg [dreg:$0xf];
	[sflag:s25] =	ssyncadd.s32 $0xFFFFD750  }
0x4d: {  	[tilespmem:s26], [sflag:$0x6] =	stream.linear.gather [hbm4b:s0+s1], $0x28B0, $0x38;
	[tilespmem:$0x1E528] =	vst v63  }
0x4e: {  	_ =	swait.ge [sflag:s25], $0x28B0  }
0x4f: {  	[sflag:s25] =	ssyncset.done $0x0  }
0x50: {  	s0 =	rddreg [dreg:$0x10];
	[sflag:s25] =	ssyncadd.s32 $0xFFFFD750  }
0x51: {  	[spmem:s0] =	stream.linear.scatter [tilespmem:s26], [sflag:$0x6], $0x28B0, $0x38;
	[tilespmem:$0x1E528] =	vst v63  }
0x52: {  	s28 =	simm.s32 @!p0 $0x6;
	_ =	swait.ge [sflag:s25], $0x28B0  }
0x53: {  	s30 =	simm.s32 @!p0 $0x1BC28;
	[dreg:$0x15] =	wrdreg s29;
	[sflag:s25] =	ssyncset.done $0x0  }
0x54: {  	s29 =	simm.s32 @!p0 $0x0;
	s0 =	rddreg [dreg:$0x11];
	[sflag:s25] =	ssyncadd.s32 $0xFFFFD750  }
0x55: {  	[tilespmem:s30], [sflag:$0x6] =	stream.linear.gather @!p0 [hbm4b:s0+s29], $0x40, $0x38;
	[tilespmem:$0x1E528] =	vst v63  }
0x56: {  	_ =	swait.ge @!p0 [sflag:s28], $0x40  }
0x57: {  	[sflag:s28] =	ssyncset.done @!p0 $0x0  }
0x58: {  	s0 =	rddreg [dreg:$0x12];
	[sflag:s28] =	ssyncadd.s32 @!p0 $0xFFFFFFC0  }
0x59: {  	[spmem:s0] =	stream.linear.scatter @!p0 [tilespmem:s30], [sflag:$0x6], $0x40, $0x38;
	[tilespmem:$0x1E528] =	vst v63  }
0x5a: {  	_ =	swait.ge @!p0 [sflag:s28], $0x40  }
0x5b: {  	[sflag:s28] =	ssyncset.done @!p0 $0x0  }
0x5c: {  	[sflag:s28] =	ssyncadd.s32 @!p0 $0xFFFFFFC0  }
0x5d: {  	[bflag:$0x0] =	sbarrier.arrive $0xFFFF  }
0x5e: {  	s29 =	rddreg [dreg:$0x13]  }
0x5f: {  	[tilespmem:s1], [sflag:$0x1] =	stream.linear.gather [hbm4b:s29+s1], $0x3200, $0x38;
	[tilespmem:$0x1E528] =	vst v63  }
0x60: {  	s31 =	rddreg [dreg:$0x14]  }
0x61: {  	[tilespmem:s4], [sflag:$0x2] =	stream.linear.gather [hbm4b:s31+s1], $0x3200, $0x38;
	[tilespmem:$0x1E528] =	vst v63  }
0x62: {  	_ =	swait.ge [sflag:s14], $0x3200  }
0x63: {  	[sflag:s14] =	ssyncset.done $0x0  }
0x64: {  	[sflag:s14] =	ssyncadd.s32 $0xFFFFCE00  }
0x65: {  	[tilespmem:s11], [sflag:$0x3] =	stream.indirect.gather [spmem:s2], $0x1, s1, s4, $0xb8;
	[tilespmem:$0x1E528] =	vst v63  }
0x66: {  	_ =	swait.ge [sflag:s5], $0x3200  }
0x67: {  	[sflag:s5] =	ssyncset.done $0x0  }
0x68: {  	[sflag:s5] =	ssyncadd.s32 $0xFFFFCE00  }
0x69: {  	[hbm4b:s23+s1] =	stream.linear.scatter [tilespmem:s11], [sflag:$0x4], $0x3200, $0x38;
	[tilespmem:$0x1E528] =	vst v63  }
0x6a: {  	_ = 	snop  }
0x6b: {  	[tilespmem:s1], [sflag:$0x1] =	stream.linear.gather [hbm4b:s24+s1], $0x3200, $0x38;
	[tilespmem:$0x1E528] =	vst v63  }
0x6c: {  	_ =	swait.ge [sflag:s10], $0x3200  }
0x6d: {  	[sflag:s10] =	ssyncset.done $0x0  }
0x6e: {  	[sflag:s10] =	ssyncadd.s32 $0xFFFFCE00  }
0x6f: {  	[tilespmem:s8], [sflag:$0x3] =	stream.indirect.gather [spmem:s2], $0x1, s4, s4, $0xb8;
	[tilespmem:$0x1E528] =	vst v63  }
0x70: {  	_ =	swait.ge [sflag:s5], $0x3200  }
0x71: {  	[sflag:s5] =	ssyncset.done $0x0  }
0x72: {  	[sflag:s5] =	ssyncadd.s32 $0xFFFFCE00  }
0x73: {  	[hbm4b:s21+s1] =	stream.linear.scatter [tilespmem:s8], [sflag:$0x5], $0x3200, $0x38;
	[tilespmem:$0x1E528] =	vst v63  }
0x74: {  	_ = 	snop  }
0x75: {  	[tilespmem:s4], [sflag:$0x2] =	stream.linear.gather [hbm4b:s22+s1], $0x3200, $0x38;
	[tilespmem:$0x1E528] =	vst v63  }
0x76: {  	_ =	swait.ge [sflag:s14], $0x3200  }
0x77: {  	[sflag:s14] =	ssyncset.done $0x0  }
0x78: {  	[sflag:s14] =	ssyncadd.s32 $0xFFFFCE00  }
0x79: {  	_ =	swait.ge [sflag:s9], $0x3200  }
0x7a: {  	[sflag:s9] =	ssyncset.done $0x0  }
0x7b: {  	[sflag:s9] =	ssyncadd.s32 $0xFFFFCE00  }
0x7c: {  	[tilespmem:s11], [sflag:$0x3] =	stream.indirect.gather [spmem:s2], $0x1, s1, s4, $0xb8;
	[tilespmem:$0x1E528] =	vst v63  }
0x7d: {  	_ =	swait.ge [sflag:s5], $0x3200  }
0x7e: {  	[sflag:s5] =	ssyncset.done $0x0  }
0x7f: {  	[sflag:s5] =	ssyncadd.s32 $0xFFFFCE00  }
0x80: {  	[hbm4b:s19+s1] =	stream.linear.scatter [tilespmem:s11], [sflag:$0x4], $0x3200, $0x38;
	[tilespmem:$0x1E528] =	vst v63  }
0x81: {  	_ = 	snop  }
0x82: {  	[tilespmem:s1], [sflag:$0x1] =	stream.linear.gather [hbm4b:s20+s1], $0x3200, $0x38;
	[tilespmem:$0x1E528] =	vst v63  }
0x83: {  	_ =	swait.ge [sflag:s10], $0x3200  }
0x84: {  	[sflag:s10] =	ssyncset.done $0x0  }
0x85: {  	[sflag:s10] =	ssyncadd.s32 $0xFFFFCE00  }
0x86: {  	_ =	swait.ge [sflag:s6], $0x3200  }
0x87: {  	[sflag:s6] =	ssyncset.done $0x0  }
0x88: {  	[sflag:s6] =	ssyncadd.s32 $0xFFFFCE00  }
0x89: {  	[tilespmem:s8], [sflag:$0x3] =	stream.indirect.gather [spmem:s2], $0x1, s4, s4, $0xb8;
	[tilespmem:$0x1E528] =	vst v63  }
0x8a: {  	_ =	swait.ge [sflag:s5], $0x3200  }
0x8b: {  	[sflag:s5] =	ssyncset.done $0x0  }
0x8c: {  	[sflag:s5] =	ssyncadd.s32 $0xFFFFCE00  }
0x8d: {  	[hbm4b:s17+s1] =	stream.linear.scatter [tilespmem:s8], [sflag:$0x5], $0x3200, $0x38;
	[tilespmem:$0x1E528] =	vst v63  }
0x8e: {  	_ = 	snop  }
0x8f: {  	[tilespmem:s4], [sflag:$0x2] =	stream.linear.gather [hbm4b:s18+s1], $0x3200, $0x38;
	[tilespmem:$0x1E528] =	vst v63  }
0x90: {  	_ =	swait.ge [sflag:s14], $0x3200  }
0x91: {  	[sflag:s14] =	ssyncset.done $0x0  }
0x92: {  	[sflag:s14] =	ssyncadd.s32 $0xFFFFCE00  }
0x93: {  	_ =	swait.ge [sflag:s9], $0x3200  }
0x94: {  	[sflag:s9] =	ssyncset.done $0x0  }
0x95: {  	[sflag:s9] =	ssyncadd.s32 $0xFFFFCE00  }
0x96: {  	[tilespmem:s11], [sflag:$0x3] =	stream.indirect.gather [spmem:s2], $0x1, s1, s4, $0xb8;
	[tilespmem:$0x1E528] =	vst v63  }
0x97: {  	_ =	swait.ge [sflag:s5], $0x3200  }
0x98: {  	[sflag:s5] =	ssyncset.done $0x0  }
0x99: {  	[sflag:s5] =	ssyncadd.s32 $0xFFFFCE00  }
0x9a: {  	[hbm4b:s15+s1] =	stream.linear.scatter [tilespmem:s11], [sflag:$0x4], $0x3200, $0x38;
	[tilespmem:$0x1E528] =	vst v63  }
0x9b: {  	_ = 	snop  }
0x9c: {  	[tilespmem:s1], [sflag:$0x1] =	stream.linear.gather [hbm4b:s16+s1], $0x3200, $0x38;
	[tilespmem:$0x1E528] =	vst v63  }
0x9d: {  	_ =	swait.ge [sflag:s10], $0x3200  }
0x9e: {  	[sflag:s10] =	ssyncset.done $0x0  }
0x9f: {  	[sflag:s10] =	ssyncadd.s32 $0xFFFFCE00  }
0xa0: {  	_ =	swait.ge [sflag:s6], $0x3200  }
0xa1: {  	[sflag:s6] =	ssyncset.done $0x0  }
0xa2: {  	[sflag:s6] =	ssyncadd.s32 $0xFFFFCE00  }
0xa3: {  	[tilespmem:s8], [sflag:$0x3] =	stream.indirect.gather [spmem:s2], $0x1, s4, s4, $0xb8;
	[tilespmem:$0x1E528] =	vst v63  }
0xa4: {  	_ =	swait.ge [sflag:s5], $0x3200  }
0xa5: {  	[sflag:s5] =	ssyncset.done $0x0  }
0xa6: {  	[sflag:s5] =	ssyncadd.s32 $0xFFFFCE00  }
0xa7: {  	[hbm4b:s12+s1] =	stream.linear.scatter [tilespmem:s8], [sflag:$0x5], $0x3200, $0x38;
	[tilespmem:$0x1E528] =	vst v63  }
0xa8: {  	_ = 	snop  }
0xa9: {  	[tilespmem:s4], [sflag:$0x2] =	stream.linear.gather [hbm4b:s13+s1], $0x3200, $0x38;
	[tilespmem:$0x1E528] =	vst v63  }
0xaa: {  	_ =	swait.ge [sflag:s14], $0x3200  }
0xab: {  	[sflag:s14] =	ssyncset.done $0x0  }
0xac: {  	[sflag:s14] =	ssyncadd.s32 $0xFFFFCE00  }
0xad: {  	_ =	swait.ge [sflag:s9], $0x3200  }
0xae: {  	[sflag:s9] =	ssyncset.done $0x0  }
0xaf: {  	[sflag:s9] =	ssyncadd.s32 $0xFFFFCE00  }
0xb0: {  	[tilespmem:s11], [sflag:$0x3] =	stream.indirect.gather [spmem:s2], $0x1, s1, s4, $0xb8;
	[tilespmem:$0x1E528] =	vst v63  }
0xb1: {  	_ =	swait.ge [sflag:s5], $0x3200  }
0xb2: {  	[sflag:s5] =	ssyncset.done $0x0  }
0xb3: {  	[sflag:s5] =	ssyncadd.s32 $0xFFFFCE00  }
0xb4: {  	[hbm4b:s7+s1] =	stream.linear.scatter [tilespmem:s11], [sflag:$0x4], $0x3200, $0x38;
	[tilespmem:$0x1E528] =	vst v63  }
0xb5: {  	_ =	swait.ge [sflag:s10], $0x3200  }
0xb6: {  	[sflag:s10] =	ssyncset.done $0x0  }
0xb7: {  	[sflag:s10] =	ssyncadd.s32 $0xFFFFCE00  }
0xb8: {  	_ =	swait.ge [sflag:s6], $0x3200  }
0xb9: {  	[sflag:s6] =	ssyncset.done $0x0  }
0xba: {  	[sflag:s6] =	ssyncadd.s32 $0xFFFFCE00  }
0xbb: {  	[tilespmem:s8], [sflag:$0x3] =	stream.indirect.gather [spmem:s2], $0x1, s4, s4, $0xb8;
	[tilespmem:$0x1E528] =	vst v63  }
0xbc: {  	_ =	swait.ge [sflag:s5], $0x3200  }
0xbd: {  	[sflag:s5] =	ssyncset.done $0x0  }
0xbe: {  	[sflag:s5] =	ssyncadd.s32 $0xFFFFCE00  }
0xbf: {  	[hbm4b:s3+s1] =	stream.linear.scatter [tilespmem:s8], [sflag:$0x5], $0x3200, $0x38;
	[tilespmem:$0x1E528] =	vst v63  }
0xc0: {  	_ =	swait.ge [sflag:s9], $0x3200  }
0xc1: {  	s29 =	rddreg [dreg:$0x15]  }
0xc2: {  	s31 =	sadd.s32 $0xFFFFFFFF, s29  }
0xc3: {  	p2 =	sne.s32 s31, $0x0  }
.Ltmp1:
0xc4: {  	_ = 	snop;
	(pc) =	sbr.rel @!p2 .LBB2_2-.Ltmp1, $4  }
0xc5: {  	[sflag:s9] =	ssyncset.done $0x0  }
0xc6: {  	[sflag:s9] =	ssyncadd.s32 $0xFFFFCE00  }
0xc7: {  	_ =	swait.ge [sflag:s6], $0x3200  }
0xc8: {  	p1 =	por $0x1, $0x1;
	s0 =	rddreg [dreg:$0x5];
	[sflag:s6] =	ssyncset.done $0x0  }
.LBB2_3:
0xc9: {  	[sflag:s6] =	ssyncadd.s32 $0xFFFFCE00  }
0xca: {  	[tilespmem:s26], [sflag:$0x6] =	stream.linear.gather [hbm4b:s0+s1], $0x28B0, $0x38;
	[tilespmem:$0x1E528] =	vst v63  }
0xcb: {  	_ =	swait.ge [sflag:s25], $0x28B0  }
0xcc: {  	[sflag:s25] =	ssyncset.done $0x0  }
0xcd: {  	s29 =	rddreg [dreg:$0x6];
	[sflag:s25] =	ssyncadd.s32 $0xFFFFD750  }
0xce: {  	[spmem:s29] =	stream.linear.scatter [tilespmem:s26], [sflag:$0x6], $0x28B0, $0x38;
	[tilespmem:$0x1E528] =	vst v63  }
0xcf: {  	_ =	swait.ge [sflag:s25], $0x28B0  }
0xd0: {  	[sflag:s25] =	ssyncset.done $0x0  }
0xd1: {  	s29 =	rddreg [dreg:$0x7];
	[sflag:s25] =	ssyncadd.s32 $0xFFFFD750  }
0xd2: {  	[tilespmem:s26], [sflag:$0x6] =	stream.linear.gather [hbm4b:s29+s1], $0x28B0, $0x38;
	[tilespmem:$0x1E528] =	vst v63  }
0xd3: {  	_ =	swait.ge [sflag:s25], $0x28B0  }
0xd4: {  	[sflag:s25] =	ssyncset.done $0x0  }
0xd5: {  	s29 =	rddreg [dreg:$0x8];
	[sflag:s25] =	ssyncadd.s32 $0xFFFFD750  }
0xd6: {  	[spmem:s29] =	stream.linear.scatter [tilespmem:s26], [sflag:$0x6], $0x28B0, $0x38;
	[tilespmem:$0x1E528] =	vst v63  }
0xd7: {  	_ =	swait.ge [sflag:s25], $0x28B0  }
0xd8: {  	[sflag:s25] =	ssyncset.done $0x0  }
0xd9: {  	s29 =	rddreg [dreg:$0x9];
	[sflag:s25] =	ssyncadd.s32 $0xFFFFD750  }
0xda: {  	[tilespmem:s26], [sflag:$0x6] =	stream.linear.gather [hbm4b:s29+s1], $0x28B0, $0x38;
	[tilespmem:$0x1E528] =	vst v63  }
0xdb: {  	_ =	swait.ge [sflag:s25], $0x28B0  }
0xdc: {  	[sflag:s25] =	ssyncset.done $0x0  }
0xdd: {  	s29 =	rddreg [dreg:$0xa];
	[sflag:s25] =	ssyncadd.s32 $0xFFFFD750  }
0xde: {  	[spmem:s29] =	stream.linear.scatter [tilespmem:s26], [sflag:$0x6], $0x28B0, $0x38;
	[tilespmem:$0x1E528] =	vst v63  }
0xdf: {  	_ =	swait.ge [sflag:s25], $0x28B0  }
0xe0: {  	[sflag:s25] =	ssyncset.done $0x0  }
0xe1: {  	s29 =	rddreg [dreg:$0xb];
	[sflag:s25] =	ssyncadd.s32 $0xFFFFD750  }
0xe2: {  	[tilespmem:s26], [sflag:$0x6] =	stream.linear.gather [hbm4b:s29+s1], $0x28B0, $0x38;
	[tilespmem:$0x1E528] =	vst v63  }
0xe3: {  	_ =	swait.ge [sflag:s25], $0x28B0  }
0xe4: {  	[sflag:s25] =	ssyncset.done $0x0  }
0xe5: {  	s29 =	rddreg [dreg:$0xc];
	[sflag:s25] =	ssyncadd.s32 $0xFFFFD750  }
0xe6: {  	[spmem:s29] =	stream.linear.scatter [tilespmem:s26], [sflag:$0x6], $0x28B0, $0x38;
	[tilespmem:$0x1E528] =	vst v63  }
0xe7: {  	_ =	swait.ge [sflag:s25], $0x28B0  }
0xe8: {  	[sflag:s25] =	ssyncset.done $0x0  }
0xe9: {  	s29 =	rddreg [dreg:$0xd];
	[sflag:s25] =	ssyncadd.s32 $0xFFFFD750  }
0xea: {  	[tilespmem:s26], [sflag:$0x6] =	stream.linear.gather [hbm4b:s29+s1], $0x28B0, $0x38;
	[tilespmem:$0x1E528] =	vst v63  }
0xeb: {  	_ =	swait.ge [sflag:s25], $0x28B0  }
0xec: {  	[sflag:s25] =	ssyncset.done $0x0  }
0xed: {  	s29 =	rddreg [dreg:$0xe];
	[sflag:s25] =	ssyncadd.s32 $0xFFFFD750  }
0xee: {  	[spmem:s29] =	stream.linear.scatter [tilespmem:s26], [sflag:$0x6], $0x28B0, $0x38;
	[tilespmem:$0x1E528] =	vst v63  }
0xef: {  	_ =	swait.ge [sflag:s25], $0x28B0  }
0xf0: {  	[sflag:s25] =	ssyncset.done $0x0  }
0xf1: {  	s29 =	rddreg [dreg:$0xf];
	[sflag:s25] =	ssyncadd.s32 $0xFFFFD750  }
0xf2: {  	[tilespmem:s26], [sflag:$0x6] =	stream.linear.gather [hbm4b:s29+s1], $0x28B0, $0x38;
	[tilespmem:$0x1E528] =	vst v63  }
0xf3: {  	_ =	swait.ge [sflag:s25], $0x28B0  }
0xf4: {  	[sflag:s25] =	ssyncset.done $0x0  }
0xf5: {  	s29 =	rddreg [dreg:$0x10];
	[sflag:s25] =	ssyncadd.s32 $0xFFFFD750  }
0xf6: {  	[spmem:s29] =	stream.linear.scatter [tilespmem:s26], [sflag:$0x6], $0x28B0, $0x38;
	[tilespmem:$0x1E528] =	vst v63  }
0xf7: {  	_ =	swait.ge [sflag:s25], $0x28B0  }
0xf8: {  	[sflag:s25] =	ssyncset.done $0x0  }
0xf9: {  	s29 =	simm.s32 @!p0 $0x0;
	s0 =	rddreg [dreg:$0x11];
	[sflag:s25] =	ssyncadd.s32 $0xFFFFD750  }
0xfa: {  	[tilespmem:s30], [sflag:$0x6] =	stream.linear.gather @!p0 [hbm4b:s0+s29], $0x40, $0x38;
	[tilespmem:$0x1E528] =	vst v63  }
0xfb: {  	_ =	swait.ge @!p0 [sflag:s28], $0x40  }
0xfc: {  	[sflag:s28] =	ssyncset.done @!p0 $0x0  }
0xfd: {  	s0 =	rddreg [dreg:$0x12];
	[sflag:s28] =	ssyncadd.s32 @!p0 $0xFFFFFFC0  }
0xfe: {  	[spmem:s0] =	stream.linear.scatter @!p0 [tilespmem:s30], [sflag:$0x6], $0x40, $0x38;
	[tilespmem:$0x1E528] =	vst v63  }
0xff: {  	_ =	swait.ge @!p0 [sflag:s28], $0x40  }
0x100: {  	[sflag:s28] =	ssyncset.done @!p0 $0x0  }
0x101: {  	[sflag:s28] =	ssyncadd.s32 @!p0 $0xFFFFFFC0  }
0x102: {  	[bflag:$0x0] =	sbarrier.arrive $0xFFFF  }
0x103: {  	s0 =	rddreg [dreg:$0x13]  }
0x104: {  	[tilespmem:s1], [sflag:$0x1] =	stream.linear.gather [hbm4b:s0+s1], $0x3200, $0x38;
	[tilespmem:$0x1E528] =	vst v63  }
0x105: {  	s29 =	rddreg [dreg:$0x14]  }
0x106: {  	[tilespmem:s4], [sflag:$0x2] =	stream.linear.gather [hbm4b:s29+s1], $0x3200, $0x38;
	[tilespmem:$0x1E528] =	vst v63  }
0x107: {  	_ =	swait.ge [sflag:s14], $0x3200  }
0x108: {  	[sflag:s14] =	ssyncset.done $0x0  }
0x109: {  	[sflag:s14] =	ssyncadd.s32 $0xFFFFCE00  }
0x10a: {  	[tilespmem:s11], [sflag:$0x3] =	stream.indirect.gather [spmem:s2], $0x1, s1, s4, $0xb8;
	[tilespmem:$0x1E528] =	vst v63  }
0x10b: {  	_ =	swait.ge [sflag:s5], $0x3200  }
0x10c: {  	[sflag:s5] =	ssyncset.done $0x0  }
0x10d: {  	[sflag:s5] =	ssyncadd.s32 $0xFFFFCE00  }
0x10e: {  	[hbm4b:s23+s1] =	stream.linear.scatter [tilespmem:s11], [sflag:$0x4], $0x3200, $0x38;
	[tilespmem:$0x1E528] =	vst v63  }
0x10f: {  	_ = 	snop  }
0x110: {  	[tilespmem:s1], [sflag:$0x1] =	stream.linear.gather [hbm4b:s24+s1], $0x3200, $0x38;
	[tilespmem:$0x1E528] =	vst v63  }
0x111: {  	_ =	swait.ge [sflag:s10], $0x3200  }
0x112: {  	[sflag:s10] =	ssyncset.done $0x0  }
0x113: {  	[sflag:s10] =	ssyncadd.s32 $0xFFFFCE00  }
0x114: {  	[tilespmem:s8], [sflag:$0x3] =	stream.indirect.gather [spmem:s2], $0x1, s4, s4, $0xb8;
	[tilespmem:$0x1E528] =	vst v63  }
0x115: {  	_ =	swait.ge [sflag:s5], $0x3200  }
0x116: {  	[sflag:s5] =	ssyncset.done $0x0  }
0x117: {  	[sflag:s5] =	ssyncadd.s32 $0xFFFFCE00  }
0x118: {  	[hbm4b:s21+s1] =	stream.linear.scatter [tilespmem:s8], [sflag:$0x5], $0x3200, $0x38;
	[tilespmem:$0x1E528] =	vst v63  }
0x119: {  	_ = 	snop  }
0x11a: {  	[tilespmem:s4], [sflag:$0x2] =	stream.linear.gather [hbm4b:s22+s1], $0x3200, $0x38;
	[tilespmem:$0x1E528] =	vst v63  }
0x11b: {  	_ =	swait.ge [sflag:s14], $0x3200  }
0x11c: {  	[sflag:s14] =	ssyncset.done $0x0  }
0x11d: {  	[sflag:s14] =	ssyncadd.s32 $0xFFFFCE00  }
0x11e: {  	_ =	swait.ge [sflag:s9], $0x3200  }
0x11f: {  	[sflag:s9] =	ssyncset.done $0x0  }
0x120: {  	[sflag:s9] =	ssyncadd.s32 $0xFFFFCE00  }
0x121: {  	[tilespmem:s11], [sflag:$0x3] =	stream.indirect.gather [spmem:s2], $0x1, s1, s4, $0xb8;
	[tilespmem:$0x1E528] =	vst v63  }
0x122: {  	_ =	swait.ge [sflag:s5], $0x3200  }
0x123: {  	[sflag:s5] =	ssyncset.done $0x0  }
0x124: {  	[sflag:s5] =	ssyncadd.s32 $0xFFFFCE00  }
0x125: {  	[hbm4b:s19+s1] =	stream.linear.scatter [tilespmem:s11], [sflag:$0x4], $0x3200, $0x38;
	[tilespmem:$0x1E528] =	vst v63  }
0x126: {  	_ = 	snop  }
0x127: {  	[tilespmem:s1], [sflag:$0x1] =	stream.linear.gather [hbm4b:s20+s1], $0x3200, $0x38;
	[tilespmem:$0x1E528] =	vst v63  }
0x128: {  	_ =	swait.ge [sflag:s10], $0x3200  }
0x129: {  	[sflag:s10] =	ssyncset.done $0x0  }
0x12a: {  	[sflag:s10] =	ssyncadd.s32 $0xFFFFCE00  }
0x12b: {  	_ =	swait.ge [sflag:s6], $0x3200  }
0x12c: {  	[sflag:s6] =	ssyncset.done $0x0  }
0x12d: {  	[sflag:s6] =	ssyncadd.s32 $0xFFFFCE00  }
0x12e: {  	[tilespmem:s8], [sflag:$0x3] =	stream.indirect.gather [spmem:s2], $0x1, s4, s4, $0xb8;
	[tilespmem:$0x1E528] =	vst v63  }
0x12f: {  	_ =	swait.ge [sflag:s5], $0x3200  }
0x130: {  	[sflag:s5] =	ssyncset.done $0x0  }
0x131: {  	[sflag:s5] =	ssyncadd.s32 $0xFFFFCE00  }
0x132: {  	[hbm4b:s17+s1] =	stream.linear.scatter [tilespmem:s8], [sflag:$0x5], $0x3200, $0x38;
	[tilespmem:$0x1E528] =	vst v63  }
0x133: {  	_ = 	snop  }
0x134: {  	[tilespmem:s4], [sflag:$0x2] =	stream.linear.gather [hbm4b:s18+s1], $0x3200, $0x38;
	[tilespmem:$0x1E528] =	vst v63  }
0x135: {  	_ =	swait.ge [sflag:s14], $0x3200  }
0x136: {  	[sflag:s14] =	ssyncset.done $0x0  }
0x137: {  	[sflag:s14] =	ssyncadd.s32 $0xFFFFCE00  }
0x138: {  	_ =	swait.ge [sflag:s9], $0x3200  }
0x139: {  	[sflag:s9] =	ssyncset.done $0x0  }
0x13a: {  	[sflag:s9] =	ssyncadd.s32 $0xFFFFCE00  }
0x13b: {  	[tilespmem:s11], [sflag:$0x3] =	stream.indirect.gather [spmem:s2], $0x1, s1, s4, $0xb8;
	[tilespmem:$0x1E528] =	vst v63  }
0x13c: {  	_ =	swait.ge [sflag:s5], $0x3200  }
0x13d: {  	[sflag:s5] =	ssyncset.done $0x0  }
0x13e: {  	[sflag:s5] =	ssyncadd.s32 $0xFFFFCE00  }
0x13f: {  	[hbm4b:s15+s1] =	stream.linear.scatter [tilespmem:s11], [sflag:$0x4], $0x3200, $0x38;
	[tilespmem:$0x1E528] =	vst v63  }
0x140: {  	_ = 	snop  }
0x141: {  	[tilespmem:s1], [sflag:$0x1] =	stream.linear.gather [hbm4b:s16+s1], $0x3200, $0x38;
	[tilespmem:$0x1E528] =	vst v63  }
0x142: {  	_ =	swait.ge [sflag:s10], $0x3200  }
0x143: {  	[sflag:s10] =	ssyncset.done $0x0  }
0x144: {  	[sflag:s10] =	ssyncadd.s32 $0xFFFFCE00  }
0x145: {  	_ =	swait.ge [sflag:s6], $0x3200  }
0x146: {  	[sflag:s6] =	ssyncset.done $0x0  }
0x147: {  	[sflag:s6] =	ssyncadd.s32 $0xFFFFCE00  }
0x148: {  	[tilespmem:s8], [sflag:$0x3] =	stream.indirect.gather [spmem:s2], $0x1, s4, s4, $0xb8;
	[tilespmem:$0x1E528] =	vst v63  }
0x149: {  	_ =	swait.ge [sflag:s5], $0x3200  }
0x14a: {  	[sflag:s5] =	ssyncset.done $0x0  }
0x14b: {  	[sflag:s5] =	ssyncadd.s32 $0xFFFFCE00  }
0x14c: {  	[hbm4b:s12+s1] =	stream.linear.scatter [tilespmem:s8], [sflag:$0x5], $0x3200, $0x38;
	[tilespmem:$0x1E528] =	vst v63  }
0x14d: {  	_ = 	snop  }
0x14e: {  	[tilespmem:s4], [sflag:$0x2] =	stream.linear.gather [hbm4b:s13+s1], $0x3200, $0x38;
	[tilespmem:$0x1E528] =	vst v63  }
0x14f: {  	_ =	swait.ge [sflag:s14], $0x3200  }
0x150: {  	[sflag:s14] =	ssyncset.done $0x0  }
0x151: {  	[sflag:s14] =	ssyncadd.s32 $0xFFFFCE00  }
0x152: {  	_ =	swait.ge [sflag:s9], $0x3200  }
0x153: {  	[sflag:s9] =	ssyncset.done $0x0  }
0x154: {  	[sflag:s9] =	ssyncadd.s32 $0xFFFFCE00  }
0x155: {  	[tilespmem:s11], [sflag:$0x3] =	stream.indirect.gather [spmem:s2], $0x1, s1, s4, $0xb8;
	[tilespmem:$0x1E528] =	vst v63  }
0x156: {  	_ =	swait.ge [sflag:s5], $0x3200  }
0x157: {  	[sflag:s5] =	ssyncset.done $0x0  }
0x158: {  	[sflag:s5] =	ssyncadd.s32 $0xFFFFCE00  }
0x159: {  	[hbm4b:s7+s1] =	stream.linear.scatter [tilespmem:s11], [sflag:$0x4], $0x3200, $0x38;
	[tilespmem:$0x1E528] =	vst v63  }
0x15a: {  	_ =	swait.ge [sflag:s10], $0x3200  }
0x15b: {  	[sflag:s10] =	ssyncset.done $0x0  }
0x15c: {  	[sflag:s10] =	ssyncadd.s32 $0xFFFFCE00  }
0x15d: {  	_ =	swait.ge [sflag:s6], $0x3200  }
0x15e: {  	[sflag:s6] =	ssyncset.done $0x0  }
0x15f: {  	[sflag:s6] =	ssyncadd.s32 $0xFFFFCE00  }
0x160: {  	[tilespmem:s8], [sflag:$0x3] =	stream.indirect.gather [spmem:s2], $0x1, s4, s4, $0xb8;
	[tilespmem:$0x1E528] =	vst v63  }
0x161: {  	_ =	swait.ge [sflag:s5], $0x3200  }
0x162: {  	s31 =	sadd.s32 $0xFFFFFFFF, s31;
	[sflag:s5] =	ssyncset.done $0x0  }
0x163: {  	p2 =	sne.s32 s31, $0x0;
	[sflag:s5] =	ssyncadd.s32 $0xFFFFCE00  }
0x164: {  	[hbm4b:s3+s1] =	stream.linear.scatter [tilespmem:s8], [sflag:$0x5], $0x3200, $0x38;
	[tilespmem:$0x1E528] =	vst v63  }
.Ltmp2:
0x165: {  	_ =	swait.ge [sflag:s9], $0x3200;
	(pc) =	sbr.rel @p2 .LBB2_3-.Ltmp2, $4  }
0x166: {  	[sflag:s9] =	ssyncset.done $0x0  }
0x167: {  	[sflag:s9] =	ssyncadd.s32 $0xFFFFCE00  }
0x168: {  	_ =	swait.ge [sflag:s6], $0x3200  }
0x169: {  	s0 =	rddreg [dreg:$0x5];
	[sflag:s6] =	ssyncset.done $0x0  }
0x16a: {  	s28 =	rddreg [dreg:$0x4]  }
.LBB2_5:
0x16b: {  	[sflag:s6] =	ssyncadd.s32 @p1 $0xFFFFCE00  }
0x16c: {  	[tilespmem:s26], [sflag:$0x6] =	stream.linear.gather [hbm4b:s0+s1], $0x28B0, $0x38;
	[tilespmem:$0x1E528] =	vst v63  }
0x16d: {  	_ =	swait.ge [sflag:s25], $0x28B0  }
0x16e: {  	[sflag:s25] =	ssyncset.done $0x0  }
0x16f: {  	s31 =	rddreg [dreg:$0x6];
	[sflag:s25] =	ssyncadd.s32 $0xFFFFD750  }
0x170: {  	[spmem:s31] =	stream.linear.scatter [tilespmem:s26], [sflag:$0x6], $0x28B0, $0x38;
	[tilespmem:$0x1E528] =	vst v63  }
0x171: {  	_ =	swait.ge [sflag:s25], $0x28B0  }
0x172: {  	[sflag:s25] =	ssyncset.done $0x0  }
0x173: {  	s29 =	rddreg [dreg:$0x7];
	[sflag:s25] =	ssyncadd.s32 $0xFFFFD750  }
0x174: {  	[tilespmem:s26], [sflag:$0x6] =	stream.linear.gather [hbm4b:s29+s1], $0x28B0, $0x38;
	[tilespmem:$0x1E528] =	vst v63  }
0x175: {  	_ =	swait.ge [sflag:s25], $0x28B0  }
0x176: {  	[sflag:s25] =	ssyncset.done $0x0  }
0x177: {  	s30 =	rddreg [dreg:$0x8];
	[sflag:s25] =	ssyncadd.s32 $0xFFFFD750  }
0x178: {  	[spmem:s30] =	stream.linear.scatter [tilespmem:s26], [sflag:$0x6], $0x28B0, $0x38;
	[tilespmem:$0x1E528] =	vst v63  }
0x179: {  	_ =	swait.ge [sflag:s25], $0x28B0  }
0x17a: {  	[sflag:s25] =	ssyncset.done $0x0  }
0x17b: {  	s31 =	rddreg [dreg:$0x9];
	[sflag:s25] =	ssyncadd.s32 $0xFFFFD750  }
0x17c: {  	[tilespmem:s26], [sflag:$0x6] =	stream.linear.gather [hbm4b:s31+s1], $0x28B0, $0x38;
	[tilespmem:$0x1E528] =	vst v63  }
0x17d: {  	_ =	swait.ge [sflag:s25], $0x28B0  }
0x17e: {  	[sflag:s25] =	ssyncset.done $0x0  }
0x17f: {  	s29 =	rddreg [dreg:$0xa];
	[sflag:s25] =	ssyncadd.s32 $0xFFFFD750  }
0x180: {  	[spmem:s29] =	stream.linear.scatter [tilespmem:s26], [sflag:$0x6], $0x28B0, $0x38;
	[tilespmem:$0x1E528] =	vst v63  }
0x181: {  	_ =	swait.ge [sflag:s25], $0x28B0  }
0x182: {  	[sflag:s25] =	ssyncset.done $0x0  }
0x183: {  	s30 =	rddreg [dreg:$0xb];
	[sflag:s25] =	ssyncadd.s32 $0xFFFFD750  }
0x184: {  	[tilespmem:s26], [sflag:$0x6] =	stream.linear.gather [hbm4b:s30+s1], $0x28B0, $0x38;
	[tilespmem:$0x1E528] =	vst v63  }
0x185: {  	_ =	swait.ge [sflag:s25], $0x28B0  }
0x186: {  	[sflag:s25] =	ssyncset.done $0x0  }
0x187: {  	s31 =	rddreg [dreg:$0xc];
	[sflag:s25] =	ssyncadd.s32 $0xFFFFD750  }
0x188: {  	[spmem:s31] =	stream.linear.scatter [tilespmem:s26], [sflag:$0x6], $0x28B0, $0x38;
	[tilespmem:$0x1E528] =	vst v63  }
0x189: {  	_ =	swait.ge [sflag:s25], $0x28B0  }
0x18a: {  	[sflag:s25] =	ssyncset.done $0x0  }
0x18b: {  	s29 =	rddreg [dreg:$0xd];
	[sflag:s25] =	ssyncadd.s32 $0xFFFFD750  }
0x18c: {  	[tilespmem:s26], [sflag:$0x6] =	stream.linear.gather [hbm4b:s29+s1], $0x28B0, $0x38;
	[tilespmem:$0x1E528] =	vst v63  }
0x18d: {  	_ =	swait.ge [sflag:s25], $0x28B0  }
0x18e: {  	[sflag:s25] =	ssyncset.done $0x0  }
0x18f: {  	s30 =	rddreg [dreg:$0xe];
	[sflag:s25] =	ssyncadd.s32 $0xFFFFD750  }
0x190: {  	[spmem:s30] =	stream.linear.scatter [tilespmem:s26], [sflag:$0x6], $0x28B0, $0x38;
	[tilespmem:$0x1E528] =	vst v63  }
0x191: {  	_ =	swait.ge [sflag:s25], $0x28B0  }
0x192: {  	[sflag:s25] =	ssyncset.done $0x0  }
0x193: {  	s31 =	rddreg [dreg:$0xf];
	[sflag:s25] =	ssyncadd.s32 $0xFFFFD750  }
0x194: {  	[tilespmem:s26], [sflag:$0x6] =	stream.linear.gather [hbm4b:s31+s1], $0x28B0, $0x38;
	[tilespmem:$0x1E528] =	vst v63  }
0x195: {  	_ =	swait.ge [sflag:s25], $0x28B0  }
0x196: {  	[sflag:s25] =	ssyncset.done $0x0  }
0x197: {  	s29 =	rddreg [dreg:$0x10];
	[sflag:s25] =	ssyncadd.s32 $0xFFFFD750  }
0x198: {  	[spmem:s29] =	stream.linear.scatter [tilespmem:s26], [sflag:$0x6], $0x28B0, $0x38;
	[tilespmem:$0x1E528] =	vst v63  }
0x199: {  	_ =	swait.ge [sflag:s25], $0x28B0  }
0x19a: {  	s26 =	simm.s32 @!p0 $0x1BC28;
	[sflag:s25] =	ssyncset.done $0x0  }
0x19b: {  	s0 =	rddreg [dreg:$0x11];
	[sflag:s25] =	ssyncadd.s32 $0xFFFFD750;
	s25 =	simm.s32 @!p0 $0x0  }
0x19c: {  	[tilespmem:s26], [sflag:$0x6] =	stream.linear.gather @!p0 [hbm4b:s0+s25], $0x40, $0x38;
	[tilespmem:$0x1E528] =	vst v63  }
0x19d: {  	s0 =	simm.s32 @!p0 $0x6  }
0x19e: {  	_ =	swait.ge @!p0 [sflag:s0], $0x40  }
0x19f: {  	[sflag:s0] =	ssyncset.done @!p0 $0x0  }
0x1a0: {  	s25 =	rddreg [dreg:$0x12];
	[sflag:s0] =	ssyncadd.s32 @!p0 $0xFFFFFFC0  }
0x1a1: {  	[spmem:s25] =	stream.linear.scatter @!p0 [tilespmem:s26], [sflag:$0x6], $0x40, $0x38;
	[tilespmem:$0x1E528] =	vst v63  }
0x1a2: {  	_ =	swait.ge @!p0 [sflag:s0], $0x40  }
0x1a3: {  	[sflag:s0] =	ssyncset.done @!p0 $0x0  }
0x1a4: {  	[sflag:s0] =	ssyncadd.s32 @!p0 $0xFFFFFFC0  }
0x1a5: {  	[bflag:$0x0] =	sbarrier.arrive $0xFFFF  }
0x1a6: {  	s30 =	rddreg [dreg:$0x13]  }
0x1a7: {  	[tilespmem:s1], [sflag:$0x1] =	stream.linear.gather [hbm4b:s30+s1], $0x3200, $0x38;
	[tilespmem:$0x1E528] =	vst v63  }
0x1a8: {  	s31 =	rddreg [dreg:$0x14]  }
0x1a9: {  	[tilespmem:s4], [sflag:$0x2] =	stream.linear.gather [hbm4b:s31+s1], $0x3200, $0x38;
	[tilespmem:$0x1E528] =	vst v63  }
0x1aa: {  	_ =	swait.ge [sflag:s14], $0x3200  }
0x1ab: {  	[sflag:s14] =	ssyncset.done $0x0  }
0x1ac: {  	[sflag:s14] =	ssyncadd.s32 $0xFFFFCE00  }
0x1ad: {  	[tilespmem:s11], [sflag:$0x3] =	stream.indirect.gather [spmem:s2], $0x1, s1, s4, $0xb8;
	[tilespmem:$0x1E528] =	vst v63  }
0x1ae: {  	_ =	swait.ge [sflag:s5], $0x3200  }
0x1af: {  	[sflag:s5] =	ssyncset.done $0x0  }
0x1b0: {  	[sflag:s5] =	ssyncadd.s32 $0xFFFFCE00  }
0x1b1: {  	[hbm4b:s23+s1] =	stream.linear.scatter [tilespmem:s11], [sflag:$0x4], $0x3200, $0x38;
	[tilespmem:$0x1E528] =	vst v63  }
0x1b2: {  	_ = 	snop  }
0x1b3: {  	[tilespmem:s1], [sflag:$0x1] =	stream.linear.gather [hbm4b:s24+s1], $0x3200, $0x38;
	[tilespmem:$0x1E528] =	vst v63  }
0x1b4: {  	_ =	swait.ge [sflag:s10], $0x3200  }
0x1b5: {  	[sflag:s10] =	ssyncset.done $0x0  }
0x1b6: {  	[sflag:s10] =	ssyncadd.s32 $0xFFFFCE00  }
0x1b7: {  	[tilespmem:s8], [sflag:$0x3] =	stream.indirect.gather [spmem:s2], $0x1, s4, s4, $0xb8;
	[tilespmem:$0x1E528] =	vst v63  }
0x1b8: {  	_ =	swait.ge [sflag:s5], $0x3200  }
0x1b9: {  	[sflag:s5] =	ssyncset.done $0x0  }
0x1ba: {  	[sflag:s5] =	ssyncadd.s32 $0xFFFFCE00  }
0x1bb: {  	[hbm4b:s21+s1] =	stream.linear.scatter [tilespmem:s8], [sflag:$0x5], $0x3200, $0x38;
	[tilespmem:$0x1E528] =	vst v63  }
0x1bc: {  	_ = 	snop  }
0x1bd: {  	[tilespmem:s4], [sflag:$0x2] =	stream.linear.gather [hbm4b:s22+s1], $0x3200, $0x38;
	[tilespmem:$0x1E528] =	vst v63  }
0x1be: {  	_ =	swait.ge [sflag:s14], $0x3200  }
0x1bf: {  	[sflag:s14] =	ssyncset.done $0x0  }
0x1c0: {  	[sflag:s14] =	ssyncadd.s32 $0xFFFFCE00  }
0x1c1: {  	_ =	swait.ge [sflag:s9], $0x3200  }
0x1c2: {  	[sflag:s9] =	ssyncset.done $0x0  }
0x1c3: {  	[sflag:s9] =	ssyncadd.s32 $0xFFFFCE00  }
0x1c4: {  	[tilespmem:s11], [sflag:$0x3] =	stream.indirect.gather [spmem:s2], $0x1, s1, s4, $0xb8;
	[tilespmem:$0x1E528] =	vst v63  }
0x1c5: {  	_ =	swait.ge [sflag:s5], $0x3200  }
0x1c6: {  	[sflag:s5] =	ssyncset.done $0x0  }
0x1c7: {  	[sflag:s5] =	ssyncadd.s32 $0xFFFFCE00  }
0x1c8: {  	[hbm4b:s19+s1] =	stream.linear.scatter [tilespmem:s11], [sflag:$0x4], $0x3200, $0x38;
	[tilespmem:$0x1E528] =	vst v63  }
0x1c9: {  	_ = 	snop  }
0x1ca: {  	[tilespmem:s1], [sflag:$0x1] =	stream.linear.gather [hbm4b:s20+s1], $0x3200, $0x38;
	[tilespmem:$0x1E528] =	vst v63  }
0x1cb: {  	_ =	swait.ge [sflag:s10], $0x3200  }
0x1cc: {  	[sflag:s10] =	ssyncset.done $0x0  }
0x1cd: {  	[sflag:s10] =	ssyncadd.s32 $0xFFFFCE00  }
0x1ce: {  	_ =	swait.ge [sflag:s6], $0x3200  }
0x1cf: {  	[sflag:s6] =	ssyncset.done $0x0  }
0x1d0: {  	[sflag:s6] =	ssyncadd.s32 $0xFFFFCE00  }
0x1d1: {  	[tilespmem:s8], [sflag:$0x3] =	stream.indirect.gather [spmem:s2], $0x1, s4, s4, $0xb8;
	[tilespmem:$0x1E528] =	vst v63  }
0x1d2: {  	_ =	swait.ge [sflag:s5], $0x3200  }
0x1d3: {  	[sflag:s5] =	ssyncset.done $0x0  }
0x1d4: {  	[sflag:s5] =	ssyncadd.s32 $0xFFFFCE00  }
0x1d5: {  	[hbm4b:s17+s1] =	stream.linear.scatter [tilespmem:s8], [sflag:$0x5], $0x3200, $0x38;
	[tilespmem:$0x1E528] =	vst v63  }
0x1d6: {  	_ = 	snop  }
0x1d7: {  	[tilespmem:s4], [sflag:$0x2] =	stream.linear.gather [hbm4b:s18+s1], $0x3200, $0x38;
	[tilespmem:$0x1E528] =	vst v63  }
0x1d8: {  	_ =	swait.ge [sflag:s14], $0x3200  }
0x1d9: {  	[sflag:s14] =	ssyncset.done $0x0  }
0x1da: {  	[sflag:s14] =	ssyncadd.s32 $0xFFFFCE00  }
0x1db: {  	_ =	swait.ge [sflag:s9], $0x3200  }
0x1dc: {  	[sflag:s9] =	ssyncset.done $0x0  }
0x1dd: {  	[sflag:s9] =	ssyncadd.s32 $0xFFFFCE00  }
0x1de: {  	[tilespmem:s11], [sflag:$0x3] =	stream.indirect.gather [spmem:s2], $0x1, s1, s4, $0xb8;
	[tilespmem:$0x1E528] =	vst v63  }
0x1df: {  	_ =	swait.ge [sflag:s5], $0x3200  }
0x1e0: {  	[sflag:s5] =	ssyncset.done $0x0  }
0x1e1: {  	[sflag:s5] =	ssyncadd.s32 $0xFFFFCE00  }
0x1e2: {  	[hbm4b:s15+s1] =	stream.linear.scatter [tilespmem:s11], [sflag:$0x4], $0x3200, $0x38;
	[tilespmem:$0x1E528] =	vst v63  }
0x1e3: {  	_ = 	snop  }
0x1e4: {  	[tilespmem:s1], [sflag:$0x1] =	stream.linear.gather [hbm4b:s16+s1], $0x3200, $0x38;
	[tilespmem:$0x1E528] =	vst v63  }
0x1e5: {  	_ =	swait.ge [sflag:s10], $0x3200  }
0x1e6: {  	[sflag:s10] =	ssyncset.done $0x0  }
0x1e7: {  	[sflag:s10] =	ssyncadd.s32 $0xFFFFCE00  }
0x1e8: {  	_ =	swait.ge [sflag:s6], $0x3200  }
0x1e9: {  	[sflag:s6] =	ssyncset.done $0x0  }
0x1ea: {  	[sflag:s6] =	ssyncadd.s32 $0xFFFFCE00  }
0x1eb: {  	[tilespmem:s8], [sflag:$0x3] =	stream.indirect.gather [spmem:s2], $0x1, s4, s4, $0xb8;
	[tilespmem:$0x1E528] =	vst v63  }
0x1ec: {  	_ =	swait.ge [sflag:s5], $0x3200  }
0x1ed: {  	[sflag:s5] =	ssyncset.done $0x0  }
0x1ee: {  	[sflag:s5] =	ssyncadd.s32 $0xFFFFCE00  }
0x1ef: {  	[hbm4b:s12+s1] =	stream.linear.scatter [tilespmem:s8], [sflag:$0x5], $0x3200, $0x38;
	[tilespmem:$0x1E528] =	vst v63  }
0x1f0: {  	_ = 	snop  }
0x1f1: {  	[tilespmem:s4], [sflag:$0x2] =	stream.linear.gather [hbm4b:s13+s1], $0x3200, $0x38;
	[tilespmem:$0x1E528] =	vst v63  }
0x1f2: {  	_ =	swait.ge [sflag:s14], $0x3200  }
0x1f3: {  	[sflag:s14] =	ssyncset.done $0x0  }
0x1f4: {  	[sflag:s14] =	ssyncadd.s32 $0xFFFFCE00  }
0x1f5: {  	_ =	swait.ge [sflag:s9], $0x3200  }
0x1f6: {  	[sflag:s9] =	ssyncset.done $0x0  }
0x1f7: {  	[sflag:s9] =	ssyncadd.s32 $0xFFFFCE00  }
0x1f8: {  	[tilespmem:s11], [sflag:$0x3] =	stream.indirect.gather [spmem:s2], $0x1, s1, s4, $0xb8;
	[tilespmem:$0x1E528] =	vst v63  }
0x1f9: {  	_ =	swait.ge [sflag:s5], $0x3200  }
0x1fa: {  	[sflag:s5] =	ssyncset.done $0x0  }
0x1fb: {  	[sflag:s5] =	ssyncadd.s32 $0xFFFFCE00  }
0x1fc: {  	[hbm4b:s7+s1] =	stream.linear.scatter [tilespmem:s11], [sflag:$0x4], $0x3200, $0x38;
	[tilespmem:$0x1E528] =	vst v63  }
0x1fd: {  	_ =	swait.ge [sflag:s10], $0x3200  }
0x1fe: {  	[sflag:s10] =	ssyncset.done $0x0  }
0x1ff: {  	[sflag:s10] =	ssyncadd.s32 $0xFFFFCE00  }
0x200: {  	_ =	swait.ge [sflag:s6], $0x3200  }
0x201: {  	[sflag:s6] =	ssyncset.done $0x0  }
0x202: {  	[sflag:s6] =	ssyncadd.s32 $0xFFFFCE00  }
0x203: {  	[tilespmem:s8], [sflag:$0x3] =	stream.indirect.gather [spmem:s2], $0x1, s4, s4, $0xb8;
	[tilespmem:$0x1E528] =	vst v63  }
0x204: {  	_ =	swait.ge [sflag:s5], $0x3200  }
0x205: {  	[sflag:s5] =	ssyncset.done $0x0  }
0x206: {  	[sflag:s5] =	ssyncadd.s32 $0xFFFFCE00  }
0x207: {  	[hbm4b:s3+s1] =	stream.linear.scatter [tilespmem:s8], [sflag:$0x5], $0x3200, $0x38;
	[tilespmem:$0x1E528] =	vst v63  }
0x208: {  	_ =	swait.ge [sflag:s9], $0x3200  }
0x209: {  	[sflag:s9] =	ssyncset.done $0x0  }
0x20a: {  	[sflag:s9] =	ssyncadd.s32 $0xFFFFCE00  }
0x20b: {  	_ =	swait.ge [sflag:s6], $0x3200  }
0x20c: {  	[sflag:s6] =	ssyncset.done $0x0  }
0x20d: {  	[sflag:s6] =	ssyncadd.s32 $0xFFFFCE00  }
0x20e: {  	_ =	sfence.sel $0x180000  }
0x20f: {  	[bflag:$0x0] =	sbarrier.arrive $0xFFFF  }
0x210: {  	_ =	strace $0x90000047  }
0x211: {  	s0 =	sadd.s32 @!p0 $0x100000, s28;
	[bflag:$0x2] =	sbarrier.arrive $0xFFFF  }
0x212: {  	[sflag:s0] =	ssyncadd.tile.s32 @!p0 $0x1;
	_ =	shalt  }
.LBB2_2:
.Ltmp3:
0x213: {  	(pc) =	sbr.rel .LBB2_5-.Ltmp3, $2  }
0x214: {  	_ =	sdelay $0x2  }
0x215: {  	s28 =	rddreg [dreg:$0x4]  }
.Lfunc_end2:
_tile_overlayer_lowered:
.L_overlay_start_2:
0x216: {  	(tag) =	ssettag $0x2  }
0x217: {  	s0 =	rddreg [dreg:$0x0];
	s2 =	stileid.u32  }
0x218: {  	s1 =	rddreg [dreg:$0x1];
	p0 =	sne.s32 s2, $0x0  }
0x219: {  	s3 =	rddreg [dreg:$0x2];
	[bflag:$0x3] =	sbarrier.arrive $0xFFFF;
	s2 =	simm.s32 @!p0 $0x1C06  }
0x21a: {  	[timem:s3], [sflag:s2] =	dma.local @!p0 [hbm:s0], s1  }
0x21b: {  	s0 =	simm.s32 @!p0 $0x6  }
0x21c: {  	_ =	swait.ge @!p0 [sflag:s0], s1  }
0x21d: {  	s1 =	ssub.s32 @!p0 $0x0, s1;
	[sflag:s0] =	ssyncset.done @!p0 $0x0  }
0x21e: {  	[sflag:s0] =	ssyncadd.s32 @!p0 s1  }
0x21f: {  	[bflag:$0x3] =	sbarrier.arrive $0xFFFF  }
0x220: {  	_ =	shalt  }

</sc_bundles>
